<compile_context>
chip_gen: v7x
topology: tpu7x:2x2x1
jax: 0.10.2.dev20260603
libtpu: 0.0.44.dev20260713+nightly
codegen_flags: <defaults>
</compile_context>

<pallas_src>
import jax
import jax.numpy as jnp
from jax import lax
from jax.experimental import pallas as pl
from jax.experimental.pallas import tpu as pltpu
from jax.experimental.pallas import tpu_sc as plsc

N = 10000
D = 128
H = 64
C = 16
K = 10
ALPHA = 0.1

NC = 2
NSC = 16
NWK = NC * NSC
CH = 1024
NCH = 10
NB = NCH
EW = NCH * CH
EP = NWK * EW
NJUNK = 16
NP = 10240
NH = NP // NC
NR = NP // NWK
_RSQ = 0x5F3759DF


def _mlp_body(x_ref, w1_ref, b1_ref, w2_ref, b2_ref, o_ref):
    h1 = lax.dot_general(x_ref[...], w1_ref[...], (((1,), (1,)), ((), ())),
                         preferred_element_type=jnp.float32)
    h1 = jnp.maximum(h1 + b1_ref[...], 0.0)
    h2 = lax.dot_general(h1, w2_ref[...], (((1,), (1,)), ((), ())),
                         preferred_element_type=jnp.float32)
    o_ref[...] = jnp.maximum(h2 + b2_ref[...], 0.0)


_mlp = pl.pallas_call(
    _mlp_body,
    grid=(10,),
    in_specs=[
        pl.BlockSpec((N // 10, D), lambda i: (i, 0)),
        pl.BlockSpec((H, D), lambda i: (0, 0)),
        pl.BlockSpec((1, H), lambda i: (0, 0)),
        pl.BlockSpec((C, H), lambda i: (0, 0)),
        pl.BlockSpec((1, C), lambda i: (0, 0)),
    ],
    out_specs=pl.BlockSpec((N // 10, C), lambda i: (i, 0)),
    out_shape=jax.ShapeDtypeStruct((N, C), jnp.float32),
)


def _frsqrt(x):
    i = lax.bitcast_convert_type(x, jnp.int32)
    y = lax.bitcast_convert_type(_RSQ - (i >> 1), jnp.float32)
    for _ in range(3):
        y = y * (1.5 - 0.5 * x * y * y)
    return y


def _prop_body(h_hbm, src_hbm, dst_hbm,
               out_hbm, xacc_hbm, xt_hbm,
               t_sh, acc_sh,
               src_t, dst_t, msg_a, msg_b,
               ab, bb, zbuf, tl, d2l, gl, dvl,
               gs_a, gs_b, ss_a, ss_b, xsem):
    cid = lax.axis_index("c")
    sid = lax.axis_index("s")
    wid = cid * NSC + sid
    oid = 1 - cid
    nbase = wid * NR
    loff = sid * NR
    obase = oid * NH + loff

    zero16 = jnp.zeros((16,), jnp.float32)
    one16 = jnp.ones((16,), jnp.float32)

    def cross_sync():
        plsc.subcore_barrier()
        pl.semaphore_signal(xsem, 1, core_index=oid)
        pl.semaphore_wait(xsem, 1)

    pltpu.sync_copy(src_hbm.at[wid], src_t)
    pltpu.sync_copy(dst_hbm.at[wid], dst_t)

    @pl.loop(0, NR)
    def _(i):
        zbuf[i] = zero16

    pltpu.sync_copy(zbuf, acc_sh.at[pl.ds(cid * NH + loff, NR)])
    pltpu.sync_copy(zbuf, acc_sh.at[pl.ds(obase, NR)])
    plsc.subcore_barrier()

    @pl.loop(0, CH)
    def _(i):
        msg_a[0, i] = one16

    @pl.loop(0, NCH)
    def _(c):
        pltpu.sync_copy(msg_a.at[0], acc_sh.at[dst_t.at[c]], add=True)
    plsc.subcore_barrier()

    pltpu.sync_copy(acc_sh.at[pl.ds(obase, NR)],
                    xacc_hbm.at[cid].at[pl.ds(loff, NR)])
    pltpu.sync_copy(zbuf, acc_sh.at[pl.ds(obase, NR)])
    cross_sync()

    pltpu.sync_copy(h_hbm.at[pl.ds(nbase, NR)], tl)
    pltpu.sync_copy(acc_sh.at[pl.ds(nbase, NR)], ab)
    pltpu.sync_copy(zbuf, acc_sh.at[pl.ds(nbase, NR)])
    pltpu.sync_copy(xacc_hbm.at[oid].at[pl.ds(loff, NR)], bb)

    @pl.loop(0, NR)
    def _(i):
        deg = ab[i] + bb[i] + 1.0
        dv = _frsqrt(deg)
        t0 = dv * tl[i]
        tl[i] = t0
        gl[i] = ALPHA * t0
        d2l[i] = (1.0 - ALPHA) * dv * dv
        dvl[i] = dv

    pltpu.sync_copy(tl, t_sh.at[pl.ds(nbase, NR)])
    pltpu.sync_copy(tl, xt_hbm.at[cid].at[pl.ds(loff, NR)])
    cross_sync()
    pltpu.sync_copy(xt_hbm.at[oid].at[pl.ds(loff, NR)],
                    t_sh.at[pl.ds(obase, NR)])
    plsc.subcore_barrier()

    def g_start(c, buf, sem):
        pltpu.async_copy(t_sh.at[src_t.at[c]], buf.at[0], sem)

    def g_wait(c, buf, sem):
        pltpu.make_async_copy(t_sh.at[src_t.at[c]], buf.at[0], sem).wait()

    def s_start(c, buf, sem):
        pltpu.async_copy(buf.at[0], acc_sh.at[dst_t.at[c]], sem, add=True)

    def s_wait(c, buf, sem):
        pltpu.make_async_copy(buf.at[0], acc_sh.at[dst_t.at[c]], sem).wait()

    @pl.loop(0, K)
    def _(k):
        g_start(0, msg_a, gs_a)
        g_wait(0, msg_a, gs_a)
        g_start(1, msg_b, gs_b)
        s_start(0, msg_a, ss_a)

        @pl.loop(1, NB // 2)
        def _(p):
            b0 = 2 * p
            b1 = b0 + 1
            s_wait(b0 - 2, msg_a, ss_a)
            g_start(b0, msg_a, gs_a)
            g_wait(b0 - 1, msg_b, gs_b)
            s_start(b0 - 1, msg_b, ss_b)
            s_wait(b0 - 1, msg_b, ss_b)
            g_start(b1, msg_b, gs_b)
            g_wait(b0, msg_a, gs_a)
            s_start(b0, msg_a, ss_a)

        g_wait(NB - 1, msg_b, gs_b)
        s_wait(NB - 2, msg_a, ss_a)
        s_start(NB - 1, msg_b, ss_b)
        s_wait(NB - 1, msg_b, ss_b)
        plsc.subcore_barrier()

        pltpu.sync_copy(acc_sh.at[pl.ds(obase, NR)],
                        xacc_hbm.at[cid].at[pl.ds(loff, NR)])
        pltpu.async_copy(zbuf, acc_sh.at[pl.ds(obase, NR)], ss_b)
        pl.semaphore_signal(xsem, 1, core_index=oid)
        pltpu.make_async_copy(zbuf, acc_sh.at[pl.ds(obase, NR)], ss_b).wait()
        pl.semaphore_wait(xsem, 1)

        pltpu.async_copy(acc_sh.at[pl.ds(nbase, NR)], ab, gs_a)
        pltpu.async_copy(xacc_hbm.at[oid].at[pl.ds(loff, NR)], bb, gs_b)
        pltpu.make_async_copy(acc_sh.at[pl.ds(nbase, NR)], ab, gs_a).wait()
        pltpu.async_copy(zbuf, acc_sh.at[pl.ds(nbase, NR)], ss_a)
        pltpu.make_async_copy(xacc_hbm.at[oid].at[pl.ds(loff, NR)], bb,
                              gs_b).wait()

        @pl.loop(0, NR)
        def _(i):
            tl[i] = d2l[i] * (ab[i] + bb[i] + tl[i]) + gl[i]

        pltpu.async_copy(tl, t_sh.at[pl.ds(nbase, NR)], ss_b)
        pltpu.sync_copy(tl, xt_hbm.at[cid].at[pl.ds(loff, NR)])
        pltpu.make_async_copy(zbuf, acc_sh.at[pl.ds(nbase, NR)], ss_a).wait()
        pltpu.make_async_copy(tl, t_sh.at[pl.ds(nbase, NR)], ss_b).wait()
        cross_sync()
        pltpu.sync_copy(xt_hbm.at[oid].at[pl.ds(loff, NR)],
                        t_sh.at[pl.ds(obase, NR)])
        plsc.subcore_barrier()

    @pl.loop(0, NR)
    def _(i):
        bb[i] = tl[i] / dvl[i]

    pltpu.sync_copy(bb, out_hbm.at[pl.ds(nbase, NR)])


_prop = pl.kernel(
    _prop_body,
    out_type=(
        jax.ShapeDtypeStruct((NP, C), jnp.float32),
        jax.ShapeDtypeStruct((NC, NH, C), jnp.float32),
        jax.ShapeDtypeStruct((NC, NH, C), jnp.float32),
    ),
    mesh=plsc.VectorSubcoreMesh(core_axis_name="c", subcore_axis_name="s",
                                num_cores=NC, num_subcores=NSC),
    compiler_params=pltpu.CompilerParams(use_tc_tiling_on_sc=False),
    scratch_types=[
        pltpu.VMEM_SHARED((NP, C), jnp.float32),
        pltpu.VMEM_SHARED((NP, C), jnp.float32),
        pltpu.VMEM((NCH, CH), jnp.int32),
        pltpu.VMEM((NCH, CH), jnp.int32),
        pltpu.VMEM((1, CH, C), jnp.float32),
        pltpu.VMEM((1, CH, C), jnp.float32),
        pltpu.VMEM((NR, C), jnp.float32),
        pltpu.VMEM((NR, C), jnp.float32),
        pltpu.VMEM((NR, C), jnp.float32),
        pltpu.VMEM((NR, C), jnp.float32),
        pltpu.VMEM((NR, C), jnp.float32),
        pltpu.VMEM((NR, C), jnp.float32),
        pltpu.VMEM((NR, C), jnp.float32),
        pltpu.SemaphoreType.DMA,
        pltpu.SemaphoreType.DMA,
        pltpu.SemaphoreType.DMA,
        pltpu.SemaphoreType.DMA,
        pltpu.SemaphoreType.REGULAR,
    ],
)


@jax.jit
def kernel(x, edge_index, W1, b1, W2, b2):
    h = _mlp(x, W1, b1.reshape(1, H), W2, b2.reshape(1, C))

    npad = EP - edge_index.shape[1]
    rng = jnp.arange(npad, dtype=jnp.int32)
    src = jnp.concatenate([edge_index[0], rng % 64])
    dst = jnp.concatenate([edge_index[1], N + (rng % NJUNK)])
    src_r = src.reshape(NWK, NCH, CH)
    dst_r = dst.reshape(NWK, NCH, CH)

    h_pad = jnp.concatenate([h, jnp.zeros((NP - N, C), jnp.float32)])
    return _prop(h_pad, src_r, dst_r)[0][:N]

# --- scband reference (transcript-rebuilt; emitter-appended) ---
"""Pipeline reference for scband-appnp-3667902071138 (READ-ONLY COPY).

The authoritative reference and input builder live on the scoring server;
editing this copy changes nothing except your own understanding.
"""

import jax, jax.numpy as jnp
import numpy as np

N = 10000
E = 320000
D = 128
H = 64
C = 16
K = 10
ALPHA = 0.1


def setup_inputs(seed: int = 0) -> dict:
    key = jax.random.key(seed)
    k1, k2, k3, k4 = jax.random.split(key, 4)
    x = jax.random.normal(k1, (N, D), dtype=jnp.float32)
    edge_index = jax.random.randint(k2, (2, E), 0, N, dtype=jnp.int32)
    W1 = jax.random.normal(k3, (H, D), dtype=jnp.float32) * (1.0 / np.sqrt(D))
    b1 = jnp.zeros((H,), dtype=jnp.float32)
    W2 = jax.random.normal(k4, (C, H), dtype=jnp.float32) * (1.0 / np.sqrt(H))
    b2 = jnp.zeros((C,), dtype=jnp.float32)
    return {"x": x, "edge_index": edge_index, "W1": W1, "b1": b1, "W2": W2, "b2": b2}


def reference(x, edge_index, W1, b1, W2, b2):
    # MLP part (dropout is identity in eval mode); note .relu() after EVERY layer, incl. last
    h = jnp.maximum(x @ W1.T + b1, 0.0)
    h = jnp.maximum(h @ W2.T + b2, 0.0)

    # gcn_norm with self-loops (PyG APPNP default: add_self_loops=True, normalize=True)
    loop = jnp.arange(N, dtype=edge_index.dtype)
    src = jnp.concatenate([edge_index[0], loop])
    dst = jnp.concatenate([edge_index[1], loop])
    deg = jax.ops.segment_sum(jnp.ones_like(src, dtype=h.dtype), dst, num_segments=N)
    dinv = jnp.where(deg > 0, jax.lax.rsqrt(deg), 0.0)
    norm = dinv[src] * dinv[dst]

    # APPNP personalized-pagerank propagation: out = (1-a) * A_hat @ out + a * h0
    h0 = h
    out = h
    for _ in range(K):
        msg = norm[:, None] * out[src]  # gather
        agg = jax.ops.segment_sum(msg, dst, num_segments=N)  # scatter-add
        out = (1.0 - ALPHA) * agg + ALPHA * h0
    return out

if __name__ == "__main__":
    import jax
    _d = setup_inputs()
    print(jax.jit(kernel)(*tuple(_d.values())))

</pallas_src>

<mosaic_0001>
#map = affine_map<(d0, d1) -> (0, 0)>
#map1 = affine_map<(d0, d1) -> (0, 0, 0)>
module attributes {stable_mosaic.version = 14 : i64} {
  func.func @_prop_body(%arg0: i32, %arg1: i32, %arg2: memref<10240x16xf32, #tpu.memory_space<hbm>>, %arg3: memref<32x10x1024xi32, #tpu.memory_space<hbm>>, %arg4: memref<32x10x1024xi32, #tpu.memory_space<hbm>>, %arg5: memref<10240x16xf32, #tpu.memory_space<hbm>>, %arg6: memref<2x5120x16xf32, #tpu.memory_space<hbm>>, %arg7: memref<2x5120x16xf32, #tpu.memory_space<hbm>>, %arg8: memref<10240x16xf32, #tpu.memory_space<vmem_shared>>, %arg9: memref<10240x16xf32, #tpu.memory_space<vmem_shared>>, %arg10: memref<10x1024xi32, #tpu.memory_space<vmem>>, %arg11: memref<10x1024xi32, #tpu.memory_space<vmem>>, %arg12: memref<1x1024x16xf32, #tpu.memory_space<vmem>>, %arg13: memref<1x1024x16xf32, #tpu.memory_space<vmem>>, %arg14: memref<320x16xf32, #tpu.memory_space<vmem>>, %arg15: memref<320x16xf32, #tpu.memory_space<vmem>>, %arg16: memref<320x16xf32, #tpu.memory_space<vmem>>, %arg17: memref<320x16xf32, #tpu.memory_space<vmem>>, %arg18: memref<320x16xf32, #tpu.memory_space<vmem>>, %arg19: memref<320x16xf32, #tpu.memory_space<vmem>>, %arg20: memref<320x16xf32, #tpu.memory_space<vmem>>, %arg21: memref<!tpu.dma_semaphore, #tpu.memory_space<semaphore_mem>>, %arg22: memref<!tpu.dma_semaphore, #tpu.memory_space<semaphore_mem>>, %arg23: memref<!tpu.dma_semaphore, #tpu.memory_space<semaphore_mem>>, %arg24: memref<!tpu.dma_semaphore, #tpu.memory_space<semaphore_mem>>, %arg25: memref<!tpu.semaphore, #tpu.memory_space<semaphore_mem>>) attributes {dimension_semantics = [#tpu.dimension_semantics<core_parallel>, #tpu.dimension_semantics<subcore_parallel>], iteration_bounds = array<i64: 2, 16>, scalar_prefetch = 0 : i64, scratch_operands = 18 : i64, tpu.core_type = #tpu.core_type<sc_vector_subcore>, window_params = [{transform_indices = #map}, {transform_indices = #map1}, {transform_indices = #map1}, {transform_indices = #map}, {transform_indices = #map1}, {transform_indices = #map1}]} {
    %mul3A = arith.constant 16 : i32
    %mul3A_0 = arith.muli %arg0, %mul3A : i32
    %add3A = arith.addi %mul3A_0, %arg1 : i32
    %sub3A = arith.constant 1 : i32
    %sub3A_1 = arith.subi %sub3A, %arg0 : i32
    %mul3A_2 = arith.constant 320 : i32
    %mul3A_3 = arith.muli %add3A, %mul3A_2 : i32
    %mul3A_4 = arith.constant 320 : i32
    %mul3A_5 = arith.muli %arg1, %mul3A_4 : i32
    %mul3A_6 = arith.constant 5120 : i32
    %mul3A_7 = arith.muli %sub3A_1, %mul3A_6 : i32
    %add3A_8 = arith.addi %mul3A_7, %mul3A_5 : i32
    %broadcast_in_dim3A = arith.constant 0.000000e+00 : f32
    %broadcast_in_dim3A_9 = vector.broadcast %broadcast_in_dim3A : f32 to vector<16xf32>
    %broadcast_in_dim3A_10 = arith.constant 1.000000e+00 : f32
    %broadcast_in_dim3A_11 = vector.broadcast %broadcast_in_dim3A_10 : f32 to vector<16xf32>
    "tpu.region"() ({
      %run_scoped3A = tpu.sem_alloc : memref<!tpu.dma_semaphore, #tpu.memory_space<semaphore_mem>>
      %dma_start3A = arith.constant 0 : i32
      %dma_start3A_52 = arith.constant 0 : i32
      %dma_start3A_53 = tpu.memref_slice %arg3[%add3A, %dma_start3A, %dma_start3A_52] : memref<32x10x1024xi32, #tpu.memory_space<hbm>> -> memref<1x10x1024xi32, #tpu.memory_space<hbm>>
      %dma_start3A_54 = tpu.memref_squeeze %dma_start3A_53 : memref<1x10x1024xi32, #tpu.memory_space<hbm>> -> memref<10x1024xi32, #tpu.memory_space<hbm>>
      %dma_start3A_55 = arith.constant 0 : i32
      %dma_start3A_56 = arith.constant 0 : i32
      %dma_start3A_57 = tpu.memref_slice %arg3[%add3A, %dma_start3A_55, %dma_start3A_56] : memref<32x10x1024xi32, #tpu.memory_space<hbm>> -> memref<1x10x1024xi32, #tpu.memory_space<hbm>>
      %dma_start3A_58 = tpu.memref_squeeze %dma_start3A_57 : memref<1x10x1024xi32, #tpu.memory_space<hbm>> -> memref<10x1024xi32, #tpu.memory_space<hbm>>
      tpu.enqueue_dma source(%dma_start3A_58 : memref<10x1024xi32, #tpu.memory_space<hbm>>) target(%arg10 : memref<10x1024xi32, #tpu.memory_space<vmem>>) target_semaphore(%run_scoped3A : memref<!tpu.dma_semaphore, #tpu.memory_space<semaphore_mem>>)
      %dma_wait3A = arith.constant 0 : i32
      %dma_wait3A_59 = arith.constant 0 : i32
      %dma_wait3A_60 = tpu.memref_slice %arg3[%add3A, %dma_wait3A, %dma_wait3A_59] : memref<32x10x1024xi32, #tpu.memory_space<hbm>> -> memref<1x10x1024xi32, #tpu.memory_space<hbm>>
      %dma_wait3A_61 = tpu.memref_squeeze %dma_wait3A_60 : memref<1x10x1024xi32, #tpu.memory_space<hbm>> -> memref<10x1024xi32, #tpu.memory_space<hbm>>
      %dma_wait3A_62 = arith.constant 0 : i32
      %dma_wait3A_63 = arith.constant 0 : i32
      %dma_wait3A_64 = tpu.memref_slice %arg3[%add3A, %dma_wait3A_62, %dma_wait3A_63] : memref<32x10x1024xi32, #tpu.memory_space<hbm>> -> memref<1x10x1024xi32, #tpu.memory_space<hbm>>
      %dma_wait3A_65 = tpu.memref_squeeze %dma_wait3A_64 : memref<1x10x1024xi32, #tpu.memory_space<hbm>> -> memref<10x1024xi32, #tpu.memory_space<hbm>>
      tpu.wait_dma2 semaphore(%run_scoped3A : memref<!tpu.dma_semaphore, #tpu.memory_space<semaphore_mem>>) src(%dma_wait3A_65 : memref<10x1024xi32, #tpu.memory_space<hbm>>) dst(%arg10 : memref<10x1024xi32, #tpu.memory_space<vmem>>)
      tpu.yield
    }) : () -> ()
    "tpu.region"() ({
      %run_scoped3A = tpu.sem_alloc : memref<!tpu.dma_semaphore, #tpu.memory_space<semaphore_mem>>
      %dma_start3A = arith.constant 0 : i32
      %dma_start3A_52 = arith.constant 0 : i32
      %dma_start3A_53 = tpu.memref_slice %arg4[%add3A, %dma_start3A, %dma_start3A_52] : memref<32x10x1024xi32, #tpu.memory_space<hbm>> -> memref<1x10x1024xi32, #tpu.memory_space<hbm>>
      %dma_start3A_54 = tpu.memref_squeeze %dma_start3A_53 : memref<1x10x1024xi32, #tpu.memory_space<hbm>> -> memref<10x1024xi32, #tpu.memory_space<hbm>>
      %dma_start3A_55 = arith.constant 0 : i32
      %dma_start3A_56 = arith.constant 0 : i32
      %dma_start3A_57 = tpu.memref_slice %arg4[%add3A, %dma_start3A_55, %dma_start3A_56] : memref<32x10x1024xi32, #tpu.memory_space<hbm>> -> memref<1x10x1024xi32, #tpu.memory_space<hbm>>
      %dma_start3A_58 = tpu.memref_squeeze %dma_start3A_57 : memref<1x10x1024xi32, #tpu.memory_space<hbm>> -> memref<10x1024xi32, #tpu.memory_space<hbm>>
      tpu.enqueue_dma source(%dma_start3A_58 : memref<10x1024xi32, #tpu.memory_space<hbm>>) target(%arg11 : memref<10x1024xi32, #tpu.memory_space<vmem>>) target_semaphore(%run_scoped3A : memref<!tpu.dma_semaphore, #tpu.memory_space<semaphore_mem>>)
      %dma_wait3A = arith.constant 0 : i32
      %dma_wait3A_59 = arith.constant 0 : i32
      %dma_wait3A_60 = tpu.memref_slice %arg4[%add3A, %dma_wait3A, %dma_wait3A_59] : memref<32x10x1024xi32, #tpu.memory_space<hbm>> -> memref<1x10x1024xi32, #tpu.memory_space<hbm>>
      %dma_wait3A_61 = tpu.memref_squeeze %dma_wait3A_60 : memref<1x10x1024xi32, #tpu.memory_space<hbm>> -> memref<10x1024xi32, #tpu.memory_space<hbm>>
      %dma_wait3A_62 = arith.constant 0 : i32
      %dma_wait3A_63 = arith.constant 0 : i32
      %dma_wait3A_64 = tpu.memref_slice %arg4[%add3A, %dma_wait3A_62, %dma_wait3A_63] : memref<32x10x1024xi32, #tpu.memory_space<hbm>> -> memref<1x10x1024xi32, #tpu.memory_space<hbm>>
      %dma_wait3A_65 = tpu.memref_squeeze %dma_wait3A_64 : memref<1x10x1024xi32, #tpu.memory_space<hbm>> -> memref<10x1024xi32, #tpu.memory_space<hbm>>
      tpu.wait_dma2 semaphore(%run_scoped3A : memref<!tpu.dma_semaphore, #tpu.memory_space<semaphore_mem>>) src(%dma_wait3A_65 : memref<10x1024xi32, #tpu.memory_space<hbm>>) dst(%arg11 : memref<10x1024xi32, #tpu.memory_space<vmem>>)
      tpu.yield
    }) : () -> ()
    %scan3A = arith.constant 0 : i32
    %scan3A_12 = arith.constant 320 : i32
    %scan3A_13 = arith.addi %scan3A, %scan3A_12 : i32
    %scan3A_14 = arith.constant 1 : i32
    scf.for %scan3A_52 = %scan3A to %scan3A_13 step %scan3A_14  : i32 {
      %mul3A_53 = arith.constant 1 : i32
      %mul3A_54 = arith.muli %scan3A_52, %mul3A_53 : i32
      %add3A_55 = arith.constant 0 : i32
      %add3A_56 = arith.addi %add3A_55, %mul3A_54 : i32
      %swap3A = arith.index_cast %add3A_56 : i32 to index
      %swap3A_57 = arith.constant 0 : index
      %swap3A_58 = tpu.vector_load %arg16[%swap3A, %swap3A_57] {strides = array<i32>} : memref<320x16xf32, #tpu.memory_space<vmem>>, vector<1x16xf32>,
      %swap3A_59 = vector.shape_cast %swap3A_58 : vector<1x16xf32> to vector<16xf32>
      %swap3A_60 = vector.shape_cast %broadcast_in_dim3A_9 : vector<16xf32> to vector<1x16xf32>
      tpu.vector_store %arg16[%swap3A, %swap3A_57], %swap3A_60 {strides = array<i32>} : memref<320x16xf32, #tpu.memory_space<vmem>>, vector<1x16xf32>,
    }
    %scan3A_15 = arith.constant 320 : i32
    %mul3A_16 = arith.constant 5120 : i32
    %mul3A_17 = arith.muli %arg0, %mul3A_16 : i32
    %add3A_18 = arith.addi %mul3A_17, %mul3A_5 : i32
    "tpu.region"() ({
      %run_scoped3A = tpu.sem_alloc : memref<!tpu.dma_semaphore, #tpu.memory_space<semaphore_mem>>
      %dma_start3A = arith.constant 0 : i32
      %dma_start3A_52 = tpu.memref_slice %arg9[%add3A_18, %dma_start3A] : memref<10240x16xf32, #tpu.memory_space<vmem_shared>> -> memref<320x16xf32, #tpu.memory_space<vmem_shared>>
      %dma_start3A_53 = arith.constant 0 : i32
      %dma_start3A_54 = tpu.memref_slice %arg9[%add3A_18, %dma_start3A_53] : memref<10240x16xf32, #tpu.memory_space<vmem_shared>> -> memref<320x16xf32, #tpu.memory_space<vmem_shared>>
      tpu.enqueue_dma source(%arg16 : memref<320x16xf32, #tpu.memory_space<vmem>>) target(%dma_start3A_54 : memref<320x16xf32, #tpu.memory_space<vmem_shared>>) target_semaphore(%run_scoped3A : memref<!tpu.dma_semaphore, #tpu.memory_space<semaphore_mem>>)
      %dma_wait3A = arith.constant 0 : i32
      %dma_wait3A_55 = tpu.memref_slice %arg9[%add3A_18, %dma_wait3A] : memref<10240x16xf32, #tpu.memory_space<vmem_shared>> -> memref<320x16xf32, #tpu.memory_space<vmem_shared>>
      %dma_wait3A_56 = arith.constant 0 : i32
      %dma_wait3A_57 = tpu.memref_slice %arg9[%add3A_18, %dma_wait3A_56] : memref<10240x16xf32, #tpu.memory_space<vmem_shared>> -> memref<320x16xf32, #tpu.memory_space<vmem_shared>>
      tpu.wait_dma2 semaphore(%run_scoped3A : memref<!tpu.dma_semaphore, #tpu.memory_space<semaphore_mem>>) src(%arg16 : memref<320x16xf32, #tpu.memory_space<vmem>>) dst(%dma_wait3A_57 : memref<320x16xf32, #tpu.memory_space<vmem_shared>>)
      tpu.yield
    }) : () -> ()
    "tpu.region"() ({
      %run_scoped3A = tpu.sem_alloc : memref<!tpu.dma_semaphore, #tpu.memory_space<semaphore_mem>>
      %dma_start3A = arith.constant 0 : i32
      %dma_start3A_52 = tpu.memref_slice %arg9[%add3A_8, %dma_start3A] : memref<10240x16xf32, #tpu.memory_space<vmem_shared>> -> memref<320x16xf32, #tpu.memory_space<vmem_shared>>
      %dma_start3A_53 = arith.constant 0 : i32
      %dma_start3A_54 = tpu.memref_slice %arg9[%add3A_8, %dma_start3A_53] : memref<10240x16xf32, #tpu.memory_space<vmem_shared>> -> memref<320x16xf32, #tpu.memory_space<vmem_shared>>
      tpu.enqueue_dma source(%arg16 : memref<320x16xf32, #tpu.memory_space<vmem>>) target(%dma_start3A_54 : memref<320x16xf32, #tpu.memory_space<vmem_shared>>) target_semaphore(%run_scoped3A : memref<!tpu.dma_semaphore, #tpu.memory_space<semaphore_mem>>)
      %dma_wait3A = arith.constant 0 : i32
      %dma_wait3A_55 = tpu.memref_slice %arg9[%add3A_8, %dma_wait3A] : memref<10240x16xf32, #tpu.memory_space<vmem_shared>> -> memref<320x16xf32, #tpu.memory_space<vmem_shared>>
      %dma_wait3A_56 = arith.constant 0 : i32
      %dma_wait3A_57 = tpu.memref_slice %arg9[%add3A_8, %dma_wait3A_56] : memref<10240x16xf32, #tpu.memory_space<vmem_shared>> -> memref<320x16xf32, #tpu.memory_space<vmem_shared>>
      tpu.wait_dma2 semaphore(%run_scoped3A : memref<!tpu.dma_semaphore, #tpu.memory_space<semaphore_mem>>) src(%arg16 : memref<320x16xf32, #tpu.memory_space<vmem>>) dst(%dma_wait3A_57 : memref<320x16xf32, #tpu.memory_space<vmem_shared>>)
      tpu.yield
    }) : () -> ()
    %barrier3A = arith.constant 0 : index
    tpu.barrier barrier_id(%barrier3A)
    %scan3A_19 = arith.constant 0 : i32
    %scan3A_20 = arith.constant 1024 : i32
    %scan3A_21 = arith.addi %scan3A_19, %scan3A_20 : i32
    %scan3A_22 = arith.constant 1 : i32
    scf.for %scan3A_52 = %scan3A_19 to %scan3A_21 step %scan3A_22  : i32 {
      %mul3A_53 = arith.constant 1 : i32
      %mul3A_54 = arith.muli %scan3A_52, %mul3A_53 : i32
      %add3A_55 = arith.constant 0 : i32
      %add3A_56 = arith.addi %add3A_55, %mul3A_54 : i32
      %swap3A = arith.constant 0 : i32
      %swap3A_57 = arith.index_cast %swap3A : i32 to index
      %swap3A_58 = arith.index_cast %add3A_56 : i32 to index
      %swap3A_59 = arith.constant 0 : index
      %swap3A_60 = tpu.vector_load %arg12[%swap3A_57, %swap3A_58, %swap3A_59] {strides = array<i32>} : memref<1x1024x16xf32, #tpu.memory_space<vmem>>, vector<1x1x16xf32>,
      %swap3A_61 = vector.shape_cast %swap3A_60 : vector<1x1x16xf32> to vector<16xf32>
      %swap3A_62 = vector.shape_cast %broadcast_in_dim3A_11 : vector<16xf32> to vector<1x1x16xf32>
      tpu.vector_store %arg12[%swap3A_57, %swap3A_58, %swap3A_59], %swap3A_62 {strides = array<i32>} : memref<1x1024x16xf32, #tpu.memory_space<vmem>>, vector<1x1x16xf32>,
    }
    %scan3A_23 = arith.constant 1024 : i32
    %scan3A_24 = arith.constant 0 : i32
    %scan3A_25 = arith.constant 10 : i32
    %scan3A_26 = arith.addi %scan3A_24, %scan3A_25 : i32
    %scan3A_27 = arith.constant 1 : i32
    scf.for %scan3A_52 = %scan3A_24 to %scan3A_26 step %scan3A_27  : i32 {
      %mul3A_53 = arith.constant 1 : i32
      %mul3A_54 = arith.muli %scan3A_52, %mul3A_53 : i32
      %add3A_55 = arith.constant 0 : i32
      %add3A_56 = arith.addi %add3A_55, %mul3A_54 : i32
      %run_scoped3A = arith.constant 0 : i32
      "tpu.region"() ({
        %run_scoped3A_57 = tpu.sem_alloc : memref<!tpu.dma_semaphore, #tpu.memory_space<semaphore_mem>>
        %dma_start3A = arith.constant 0 : i32
        %dma_start3A_58 = arith.constant 0 : i32
        %dma_start3A_59 = tpu.memref_slice %arg12[%run_scoped3A, %dma_start3A, %dma_start3A_58] : memref<1x1024x16xf32, #tpu.memory_space<vmem>> -> memref<1x1024x16xf32, #tpu.memory_space<vmem>>
        %dma_start3A_60 = tpu.memref_squeeze %dma_start3A_59 : memref<1x1024x16xf32, #tpu.memory_space<vmem>> -> memref<1024x16xf32, #tpu.memory_space<vmem>>
        %dma_start3A_61 = arith.constant 0 : i32
        %dma_start3A_62 = tpu.memref_slice %arg11[%add3A_56, %dma_start3A_61] : memref<10x1024xi32, #tpu.memory_space<vmem>> -> memref<1x1024xi32, #tpu.memory_space<vmem>>
        %dma_start3A_63 = tpu.memref_squeeze %dma_start3A_62 : memref<1x1024xi32, #tpu.memory_space<vmem>> -> memref<1024xi32, #tpu.memory_space<vmem>>
        %dma_start3A_64 = arith.constant 0 : i32
        %dma_start3A_65 = arith.constant 0 : i32
        %dma_start3A_66 = tpu.memref_slice %arg9[%dma_start3A_64, %dma_start3A_65] : memref<10240x16xf32, #tpu.memory_space<vmem_shared>> -> memref<10240x16xf32, #tpu.memory_space<vmem_shared>>
        tpu.enqueue_indirect_dma source(%dma_start3A_60 : memref<1024x16xf32, #tpu.memory_space<vmem>>) target(%dma_start3A_66 : memref<10240x16xf32, #tpu.memory_space<vmem_shared>>) offsets(%dma_start3A_63 : memref<1024xi32, #tpu.memory_space<vmem>>) semaphore(%run_scoped3A_57 : memref<!tpu.dma_semaphore, #tpu.memory_space<semaphore_mem>>) {add = true}
        %dma_wait3A = arith.constant 0 : i32
        %dma_wait3A_67 = arith.constant 0 : i32
        %dma_wait3A_68 = tpu.memref_slice %arg12[%run_scoped3A, %dma_wait3A, %dma_wait3A_67] : memref<1x1024x16xf32, #tpu.memory_space<vmem>> -> memref<1x1024x16xf32, #tpu.memory_space<vmem>>
        %dma_wait3A_69 = tpu.memref_squeeze %dma_wait3A_68 : memref<1x1024x16xf32, #tpu.memory_space<vmem>> -> memref<1024x16xf32, #tpu.memory_space<vmem>>
        %dma_wait3A_70 = arith.constant 0 : i32
        %dma_wait3A_71 = tpu.memref_slice %arg11[%add3A_56, %dma_wait3A_70] : memref<10x1024xi32, #tpu.memory_space<vmem>> -> memref<1x1024xi32, #tpu.memory_space<vmem>>
        %dma_wait3A_72 = tpu.memref_squeeze %dma_wait3A_71 : memref<1x1024xi32, #tpu.memory_space<vmem>> -> memref<1024xi32, #tpu.memory_space<vmem>>
        %dma_wait3A_73 = arith.constant 0 : i32
        %dma_wait3A_74 = arith.constant 0 : i32
        %dma_wait3A_75 = tpu.memref_slice %arg9[%dma_wait3A_73, %dma_wait3A_74] : memref<10240x16xf32, #tpu.memory_space<vmem_shared>> -> memref<10240x16xf32, #tpu.memory_space<vmem_shared>>
        tpu.wait_indirect_dma semaphore(%run_scoped3A_57 : memref<!tpu.dma_semaphore, #tpu.memory_space<semaphore_mem>>) src(%dma_wait3A_69 : memref<1024x16xf32, #tpu.memory_space<vmem>>) dst(%dma_wait3A_75 : memref<10240x16xf32, #tpu.memory_space<vmem_shared>>)
        tpu.yield
      }) : () -> ()
    }
    %scan3A_28 = arith.constant 10 : i32
    %barrier3A_29 = arith.constant 0 : index
    tpu.barrier barrier_id(%barrier3A_29)
    "tpu.region"() ({
      %run_scoped3A = tpu.sem_alloc : memref<!tpu.dma_semaphore, #tpu.memory_space<semaphore_mem>>
      %dma_start3A = arith.constant 0 : i32
      %dma_start3A_52 = arith.constant 0 : i32
      %dma_start3A_53 = tpu.memref_slice %arg6[%arg0, %dma_start3A, %dma_start3A_52] : memref<2x5120x16xf32, #tpu.memory_space<hbm>> -> memref<1x5120x16xf32, #tpu.memory_space<hbm>>
      %dma_start3A_54 = tpu.memref_squeeze %dma_start3A_53 : memref<1x5120x16xf32, #tpu.memory_space<hbm>> -> memref<5120x16xf32, #tpu.memory_space<hbm>>
      %dma_start3A_55 = arith.constant 0 : i32
      %dma_start3A_56 = tpu.memref_slice %dma_start3A_54[%mul3A_5, %dma_start3A_55] : memref<5120x16xf32, #tpu.memory_space<hbm>> -> memref<320x16xf32, #tpu.memory_space<hbm>>
      %dma_start3A_57 = arith.constant 0 : i32
      %dma_start3A_58 = tpu.memref_slice %arg9[%add3A_8, %dma_start3A_57] : memref<10240x16xf32, #tpu.memory_space<vmem_shared>> -> memref<320x16xf32, #tpu.memory_space<vmem_shared>>
      tpu.enqueue_dma source(%dma_start3A_58 : memref<320x16xf32, #tpu.memory_space<vmem_shared>>) target(%dma_start3A_56 : memref<320x16xf32, #tpu.memory_space<hbm>>) target_semaphore(%run_scoped3A : memref<!tpu.dma_semaphore, #tpu.memory_space<semaphore_mem>>)
      %dma_wait3A = arith.constant 0 : i32
      %dma_wait3A_59 = arith.constant 0 : i32
      %dma_wait3A_60 = tpu.memref_slice %arg6[%arg0, %dma_wait3A, %dma_wait3A_59] : memref<2x5120x16xf32, #tpu.memory_space<hbm>> -> memref<1x5120x16xf32, #tpu.memory_space<hbm>>
      %dma_wait3A_61 = tpu.memref_squeeze %dma_wait3A_60 : memref<1x5120x16xf32, #tpu.memory_space<hbm>> -> memref<5120x16xf32, #tpu.memory_space<hbm>>
      %dma_wait3A_62 = arith.constant 0 : i32
      %dma_wait3A_63 = tpu.memref_slice %dma_wait3A_61[%mul3A_5, %dma_wait3A_62] : memref<5120x16xf32, #tpu.memory_space<hbm>> -> memref<320x16xf32, #tpu.memory_space<hbm>>
      %dma_wait3A_64 = arith.constant 0 : i32
      %dma_wait3A_65 = tpu.memref_slice %arg9[%add3A_8, %dma_wait3A_64] : memref<10240x16xf32, #tpu.memory_space<vmem_shared>> -> memref<320x16xf32, #tpu.memory_space<vmem_shared>>
      tpu.wait_dma2 semaphore(%run_scoped3A : memref<!tpu.dma_semaphore, #tpu.memory_space<semaphore_mem>>) src(%dma_wait3A_65 : memref<320x16xf32, #tpu.memory_space<vmem_shared>>) dst(%dma_wait3A_63 : memref<320x16xf32, #tpu.memory_space<hbm>>)
      tpu.yield
    }) : () -> ()
    "tpu.region"() ({
      %run_scoped3A = tpu.sem_alloc : memref<!tpu.dma_semaphore, #tpu.memory_space<semaphore_mem>>
      %dma_start3A = arith.constant 0 : i32
      %dma_start3A_52 = tpu.memref_slice %arg9[%add3A_8, %dma_start3A] : memref<10240x16xf32, #tpu.memory_space<vmem_shared>> -> memref<320x16xf32, #tpu.memory_space<vmem_shared>>
      %dma_start3A_53 = arith.constant 0 : i32
      %dma_start3A_54 = tpu.memref_slice %arg9[%add3A_8, %dma_start3A_53] : memref<10240x16xf32, #tpu.memory_space<vmem_shared>> -> memref<320x16xf32, #tpu.memory_space<vmem_shared>>
      tpu.enqueue_dma source(%arg16 : memref<320x16xf32, #tpu.memory_space<vmem>>) target(%dma_start3A_54 : memref<320x16xf32, #tpu.memory_space<vmem_shared>>) target_semaphore(%run_scoped3A : memref<!tpu.dma_semaphore, #tpu.memory_space<semaphore_mem>>)
      %dma_wait3A = arith.constant 0 : i32
      %dma_wait3A_55 = tpu.memref_slice %arg9[%add3A_8, %dma_wait3A] : memref<10240x16xf32, #tpu.memory_space<vmem_shared>> -> memref<320x16xf32, #tpu.memory_space<vmem_shared>>
      %dma_wait3A_56 = arith.constant 0 : i32
      %dma_wait3A_57 = tpu.memref_slice %arg9[%add3A_8, %dma_wait3A_56] : memref<10240x16xf32, #tpu.memory_space<vmem_shared>> -> memref<320x16xf32, #tpu.memory_space<vmem_shared>>
      tpu.wait_dma2 semaphore(%run_scoped3A : memref<!tpu.dma_semaphore, #tpu.memory_space<semaphore_mem>>) src(%arg16 : memref<320x16xf32, #tpu.memory_space<vmem>>) dst(%dma_wait3A_57 : memref<320x16xf32, #tpu.memory_space<vmem_shared>>)
      tpu.yield
    }) : () -> ()
    %barrier3A_30 = arith.constant 0 : index
    tpu.barrier barrier_id(%barrier3A_30)
    %semaphore_signal3A = arith.constant 1 : i32
    tpu.sem_signal %arg25, %semaphore_signal3A core_id %sub3A_1 : memref<!tpu.semaphore, #tpu.memory_space<semaphore_mem>>
    %semaphore_wait3A = arith.constant 1 : i32
    %semaphore_wait3A_31 = arith.constant true
    tpu.sem_wait %arg25, %semaphore_wait3A : memref<!tpu.semaphore, #tpu.memory_space<semaphore_mem>>
    "tpu.region"() ({
      %run_scoped3A = tpu.sem_alloc : memref<!tpu.dma_semaphore, #tpu.memory_space<semaphore_mem>>
      %dma_start3A = arith.constant 0 : i32
      %dma_start3A_52 = tpu.memref_slice %arg2[%mul3A_3, %dma_start3A] : memref<10240x16xf32, #tpu.memory_space<hbm>> -> memref<320x16xf32, #tpu.memory_space<hbm>>
      %dma_start3A_53 = arith.constant 0 : i32
      %dma_start3A_54 = tpu.memref_slice %arg2[%mul3A_3, %dma_start3A_53] : memref<10240x16xf32, #tpu.memory_space<hbm>> -> memref<320x16xf32, #tpu.memory_space<hbm>>
      tpu.enqueue_dma source(%dma_start3A_54 : memref<320x16xf32, #tpu.memory_space<hbm>>) target(%arg17 : memref<320x16xf32, #tpu.memory_space<vmem>>) target_semaphore(%run_scoped3A : memref<!tpu.dma_semaphore, #tpu.memory_space<semaphore_mem>>)
      %dma_wait3A = arith.constant 0 : i32
      %dma_wait3A_55 = tpu.memref_slice %arg2[%mul3A_3, %dma_wait3A] : memref<10240x16xf32, #tpu.memory_space<hbm>> -> memref<320x16xf32, #tpu.memory_space<hbm>>
      %dma_wait3A_56 = arith.constant 0 : i32
      %dma_wait3A_57 = tpu.memref_slice %arg2[%mul3A_3, %dma_wait3A_56] : memref<10240x16xf32, #tpu.memory_space<hbm>> -> memref<320x16xf32, #tpu.memory_space<hbm>>
      tpu.wait_dma2 semaphore(%run_scoped3A : memref<!tpu.dma_semaphore, #tpu.memory_space<semaphore_mem>>) src(%dma_wait3A_57 : memref<320x16xf32, #tpu.memory_space<hbm>>) dst(%arg17 : memref<320x16xf32, #tpu.memory_space<vmem>>)
      tpu.yield
    }) : () -> ()
    "tpu.region"() ({
      %run_scoped3A = tpu.sem_alloc : memref<!tpu.dma_semaphore, #tpu.memory_space<semaphore_mem>>
      %dma_start3A = arith.constant 0 : i32
      %dma_start3A_52 = tpu.memref_slice %arg9[%mul3A_3, %dma_start3A] : memref<10240x16xf32, #tpu.memory_space<vmem_shared>> -> memref<320x16xf32, #tpu.memory_space<vmem_shared>>
      %dma_start3A_53 = arith.constant 0 : i32
      %dma_start3A_54 = tpu.memref_slice %arg9[%mul3A_3, %dma_start3A_53] : memref<10240x16xf32, #tpu.memory_space<vmem_shared>> -> memref<320x16xf32, #tpu.memory_space<vmem_shared>>
      tpu.enqueue_dma source(%dma_start3A_54 : memref<320x16xf32, #tpu.memory_space<vmem_shared>>) target(%arg14 : memref<320x16xf32, #tpu.memory_space<vmem>>) target_semaphore(%run_scoped3A : memref<!tpu.dma_semaphore, #tpu.memory_space<semaphore_mem>>)
      %dma_wait3A = arith.constant 0 : i32
      %dma_wait3A_55 = tpu.memref_slice %arg9[%mul3A_3, %dma_wait3A] : memref<10240x16xf32, #tpu.memory_space<vmem_shared>> -> memref<320x16xf32, #tpu.memory_space<vmem_shared>>
      %dma_wait3A_56 = arith.constant 0 : i32
      %dma_wait3A_57 = tpu.memref_slice %arg9[%mul3A_3, %dma_wait3A_56] : memref<10240x16xf32, #tpu.memory_space<vmem_shared>> -> memref<320x16xf32, #tpu.memory_space<vmem_shared>>
      tpu.wait_dma2 semaphore(%run_scoped3A : memref<!tpu.dma_semaphore, #tpu.memory_space<semaphore_mem>>) src(%dma_wait3A_57 : memref<320x16xf32, #tpu.memory_space<vmem_shared>>) dst(%arg14 : memref<320x16xf32, #tpu.memory_space<vmem>>)
      tpu.yield
    }) : () -> ()
    "tpu.region"() ({
      %run_scoped3A = tpu.sem_alloc : memref<!tpu.dma_semaphore, #tpu.memory_space<semaphore_mem>>
      %dma_start3A = arith.constant 0 : i32
      %dma_start3A_52 = tpu.memref_slice %arg9[%mul3A_3, %dma_start3A] : memref<10240x16xf32, #tpu.memory_space<vmem_shared>> -> memref<320x16xf32, #tpu.memory_space<vmem_shared>>
      %dma_start3A_53 = arith.constant 0 : i32
      %dma_start3A_54 = tpu.memref_slice %arg9[%mul3A_3, %dma_start3A_53] : memref<10240x16xf32, #tpu.memory_space<vmem_shared>> -> memref<320x16xf32, #tpu.memory_space<vmem_shared>>
      tpu.enqueue_dma source(%arg16 : memref<320x16xf32, #tpu.memory_space<vmem>>) target(%dma_start3A_54 : memref<320x16xf32, #tpu.memory_space<vmem_shared>>) target_semaphore(%run_scoped3A : memref<!tpu.dma_semaphore, #tpu.memory_space<semaphore_mem>>)
      %dma_wait3A = arith.constant 0 : i32
      %dma_wait3A_55 = tpu.memref_slice %arg9[%mul3A_3, %dma_wait3A] : memref<10240x16xf32, #tpu.memory_space<vmem_shared>> -> memref<320x16xf32, #tpu.memory_space<vmem_shared>>
      %dma_wait3A_56 = arith.constant 0 : i32
      %dma_wait3A_57 = tpu.memref_slice %arg9[%mul3A_3, %dma_wait3A_56] : memref<10240x16xf32, #tpu.memory_space<vmem_shared>> -> memref<320x16xf32, #tpu.memory_space<vmem_shared>>
      tpu.wait_dma2 semaphore(%run_scoped3A : memref<!tpu.dma_semaphore, #tpu.memory_space<semaphore_mem>>) src(%arg16 : memref<320x16xf32, #tpu.memory_space<vmem>>) dst(%dma_wait3A_57 : memref<320x16xf32, #tpu.memory_space<vmem_shared>>)
      tpu.yield
    }) : () -> ()
    "tpu.region"() ({
      %run_scoped3A = tpu.sem_alloc : memref<!tpu.dma_semaphore, #tpu.memory_space<semaphore_mem>>
      %dma_start3A = arith.constant 0 : i32
      %dma_start3A_52 = arith.constant 0 : i32
      %dma_start3A_53 = tpu.memref_slice %arg6[%sub3A_1, %dma_start3A, %dma_start3A_52] : memref<2x5120x16xf32, #tpu.memory_space<hbm>> -> memref<1x5120x16xf32, #tpu.memory_space<hbm>>
      %dma_start3A_54 = tpu.memref_squeeze %dma_start3A_53 : memref<1x5120x16xf32, #tpu.memory_space<hbm>> -> memref<5120x16xf32, #tpu.memory_space<hbm>>
      %dma_start3A_55 = arith.constant 0 : i32
      %dma_start3A_56 = tpu.memref_slice %dma_start3A_54[%mul3A_5, %dma_start3A_55] : memref<5120x16xf32, #tpu.memory_space<hbm>> -> memref<320x16xf32, #tpu.memory_space<hbm>>
      %dma_start3A_57 = arith.constant 0 : i32
      %dma_start3A_58 = arith.constant 0 : i32
      %dma_start3A_59 = tpu.memref_slice %arg6[%sub3A_1, %dma_start3A_57, %dma_start3A_58] : memref<2x5120x16xf32, #tpu.memory_space<hbm>> -> memref<1x5120x16xf32, #tpu.memory_space<hbm>>
      %dma_start3A_60 = tpu.memref_squeeze %dma_start3A_59 : memref<1x5120x16xf32, #tpu.memory_space<hbm>> -> memref<5120x16xf32, #tpu.memory_space<hbm>>
      %dma_start3A_61 = arith.constant 0 : i32
      %dma_start3A_62 = tpu.memref_slice %dma_start3A_60[%mul3A_5, %dma_start3A_61] : memref<5120x16xf32, #tpu.memory_space<hbm>> -> memref<320x16xf32, #tpu.memory_space<hbm>>
      tpu.enqueue_dma source(%dma_start3A_62 : memref<320x16xf32, #tpu.memory_space<hbm>>) target(%arg15 : memref<320x16xf32, #tpu.memory_space<vmem>>) target_semaphore(%run_scoped3A : memref<!tpu.dma_semaphore, #tpu.memory_space<semaphore_mem>>)
      %dma_wait3A = arith.constant 0 : i32
      %dma_wait3A_63 = arith.constant 0 : i32
      %dma_wait3A_64 = tpu.memref_slice %arg6[%sub3A_1, %dma_wait3A, %dma_wait3A_63] : memref<2x5120x16xf32, #tpu.memory_space<hbm>> -> memref<1x5120x16xf32, #tpu.memory_space<hbm>>
      %dma_wait3A_65 = tpu.memref_squeeze %dma_wait3A_64 : memref<1x5120x16xf32, #tpu.memory_space<hbm>> -> memref<5120x16xf32, #tpu.memory_space<hbm>>
      %dma_wait3A_66 = arith.constant 0 : i32
      %dma_wait3A_67 = tpu.memref_slice %dma_wait3A_65[%mul3A_5, %dma_wait3A_66] : memref<5120x16xf32, #tpu.memory_space<hbm>> -> memref<320x16xf32, #tpu.memory_space<hbm>>
      %dma_wait3A_68 = arith.constant 0 : i32
      %dma_wait3A_69 = arith.constant 0 : i32
      %dma_wait3A_70 = tpu.memref_slice %arg6[%sub3A_1, %dma_wait3A_68, %dma_wait3A_69] : memref<2x5120x16xf32, #tpu.memory_space<hbm>> -> memref<1x5120x16xf32, #tpu.memory_space<hbm>>
      %dma_wait3A_71 = tpu.memref_squeeze %dma_wait3A_70 : memref<1x5120x16xf32, #tpu.memory_space<hbm>> -> memref<5120x16xf32, #tpu.memory_space<hbm>>
      %dma_wait3A_72 = arith.constant 0 : i32
      %dma_wait3A_73 = tpu.memref_slice %dma_wait3A_71[%mul3A_5, %dma_wait3A_72] : memref<5120x16xf32, #tpu.memory_space<hbm>> -> memref<320x16xf32, #tpu.memory_space<hbm>>
      tpu.wait_dma2 semaphore(%run_scoped3A : memref<!tpu.dma_semaphore, #tpu.memory_space<semaphore_mem>>) src(%dma_wait3A_73 : memref<320x16xf32, #tpu.memory_space<hbm>>) dst(%arg15 : memref<320x16xf32, #tpu.memory_space<vmem>>)
      tpu.yield
    }) : () -> ()
    %scan3A_32 = arith.constant 0 : i32
    %scan3A_33 = arith.constant 320 : i32
    %scan3A_34 = arith.addi %scan3A_32, %scan3A_33 : i32
    %scan3A_35 = arith.constant 1 : i32
    scf.for %scan3A_52 = %scan3A_32 to %scan3A_34 step %scan3A_35  : i32 {
      %mul3A_53 = arith.constant 1 : i32
      %mul3A_54 = arith.muli %scan3A_52, %mul3A_53 : i32
      %add3A_55 = arith.constant 0 : i32
      %add3A_56 = arith.addi %add3A_55, %mul3A_54 : i32
      %get3A = arith.index_cast %add3A_56 : i32 to index
      %get3A_57 = arith.constant 0 : index
      %get3A_58 = tpu.vector_load %arg14[%get3A, %get3A_57] {strides = array<i32>} : memref<320x16xf32, #tpu.memory_space<vmem>>, vector<1x16xf32>,
      %get3A_59 = vector.shape_cast %get3A_58 : vector<1x16xf32> to vector<16xf32>
      %get3A_60 = arith.index_cast %add3A_56 : i32 to index
      %get3A_61 = arith.constant 0 : index
      %get3A_62 = tpu.vector_load %arg15[%get3A_60, %get3A_61] {strides = array<i32>} : memref<320x16xf32, #tpu.memory_space<vmem>>, vector<1x16xf32>,
      %get3A_63 = vector.shape_cast %get3A_62 : vector<1x16xf32> to vector<16xf32>
      %add3A_64 = arith.addf %get3A_59, %get3A_63 : vector<16xf32>
      %add3A_65 = arith.constant 1.000000e+00 : f32
      %add3A_66 = vector.broadcast %add3A_65 : f32 to vector<16xf32>
      %add3A_67 = arith.addf %add3A_64, %add3A_66 : vector<16xf32>
      %bitcast_convert_type3A = tpu.bitcast %add3A_67 : vector<16xf32> -> vector<16xi32>
      %shift_right_arithmetic3A = arith.constant 1 : i32
      %shift_right_arithmetic3A_68 = vector.broadcast %shift_right_arithmetic3A : i32 to vector<16xi32>
      %shift_right_arithmetic3A_69 = arith.shrsi %bitcast_convert_type3A, %shift_right_arithmetic3A_68 : vector<16xi32>
      %sub3A_70 = arith.constant 1597463007 : i32
      %sub3A_71 = vector.broadcast %sub3A_70 : i32 to vector<16xi32>
      %sub3A_72 = arith.subi %sub3A_71, %shift_right_arithmetic3A_69 : vector<16xi32>
      %bitcast_convert_type3A_73 = tpu.bitcast %sub3A_72 : vector<16xi32> -> vector<16xf32>
      %mul3A_74 = arith.constant 5.000000e-01 : f32
      %mul3A_75 = vector.broadcast %mul3A_74 : f32 to vector<16xf32>
      %mul3A_76 = arith.mulf %mul3A_75, %add3A_67 : vector<16xf32>
      %mul3A_77 = arith.mulf %mul3A_76, %bitcast_convert_type3A_73 : vector<16xf32>
      %mul3A_78 = arith.mulf %mul3A_77, %bitcast_convert_type3A_73 : vector<16xf32>
      %sub3A_79 = arith.constant 1.500000e+00 : f32
      %sub3A_80 = vector.broadcast %sub3A_79 : f32 to vector<16xf32>
      %sub3A_81 = arith.subf %sub3A_80, %mul3A_78 : vector<16xf32>
      %mul3A_82 = arith.mulf %bitcast_convert_type3A_73, %sub3A_81 : vector<16xf32>
      %mul3A_83 = arith.constant 5.000000e-01 : f32
      %mul3A_84 = vector.broadcast %mul3A_83 : f32 to vector<16xf32>
      %mul3A_85 = arith.mulf %mul3A_84, %add3A_67 : vector<16xf32>
      %mul3A_86 = arith.mulf %mul3A_85, %mul3A_82 : vector<16xf32>
      %mul3A_87 = arith.mulf %mul3A_86, %mul3A_82 : vector<16xf32>
      %sub3A_88 = arith.constant 1.500000e+00 : f32
      %sub3A_89 = vector.broadcast %sub3A_88 : f32 to vector<16xf32>
      %sub3A_90 = arith.subf %sub3A_89, %mul3A_87 : vector<16xf32>
      %mul3A_91 = arith.mulf %mul3A_82, %sub3A_90 : vector<16xf32>
      %mul3A_92 = arith.constant 5.000000e-01 : f32
      %mul3A_93 = vector.broadcast %mul3A_92 : f32 to vector<16xf32>
      %mul3A_94 = arith.mulf %mul3A_93, %add3A_67 : vector<16xf32>
      %mul3A_95 = arith.mulf %mul3A_94, %mul3A_91 : vector<16xf32>
      %mul3A_96 = arith.mulf %mul3A_95, %mul3A_91 : vector<16xf32>
      %sub3A_97 = arith.constant 1.500000e+00 : f32
      %sub3A_98 = vector.broadcast %sub3A_97 : f32 to vector<16xf32>
      %sub3A_99 = arith.subf %sub3A_98, %mul3A_96 : vector<16xf32>
      %mul3A_100 = arith.mulf %mul3A_91, %sub3A_99 : vector<16xf32>
      %get3A_101 = arith.index_cast %add3A_56 : i32 to index
      %get3A_102 = arith.constant 0 : index
      %get3A_103 = tpu.vector_load %arg17[%get3A_101, %get3A_102] {strides = array<i32>} : memref<320x16xf32, #tpu.memory_space<vmem>>, vector<1x16xf32>,
      %get3A_104 = vector.shape_cast %get3A_103 : vector<1x16xf32> to vector<16xf32>
      %mul3A_105 = arith.mulf %mul3A_100, %get3A_104 : vector<16xf32>
      %swap3A = arith.index_cast %add3A_56 : i32 to index
      %swap3A_106 = arith.constant 0 : index
      %swap3A_107 = tpu.vector_load %arg17[%swap3A, %swap3A_106] {strides = array<i32>} : memref<320x16xf32, #tpu.memory_space<vmem>>, vector<1x16xf32>,
      %swap3A_108 = vector.shape_cast %swap3A_107 : vector<1x16xf32> to vector<16xf32>
      %swap3A_109 = vector.shape_cast %mul3A_105 : vector<16xf32> to vector<1x16xf32>
      tpu.vector_store %arg17[%swap3A, %swap3A_106], %swap3A_109 {strides = array<i32>} : memref<320x16xf32, #tpu.memory_space<vmem>>, vector<1x16xf32>,
      %mul3A_110 = arith.constant 1.000000e-01 : f32
      %mul3A_111 = vector.broadcast %mul3A_110 : f32 to vector<16xf32>
      %mul3A_112 = arith.mulf %mul3A_111, %mul3A_105 : vector<16xf32>
      %swap3A_113 = arith.index_cast %add3A_56 : i32 to index
      %swap3A_114 = arith.constant 0 : index
      %swap3A_115 = tpu.vector_load %arg19[%swap3A_113, %swap3A_114] {strides = array<i32>} : memref<320x16xf32, #tpu.memory_space<vmem>>, vector<1x16xf32>,
      %swap3A_116 = vector.shape_cast %swap3A_115 : vector<1x16xf32> to vector<16xf32>
      %swap3A_117 = vector.shape_cast %mul3A_112 : vector<16xf32> to vector<1x16xf32>
      tpu.vector_store %arg19[%swap3A_113, %swap3A_114], %swap3A_117 {strides = array<i32>} : memref<320x16xf32, #tpu.memory_space<vmem>>, vector<1x16xf32>,
      %mul3A_118 = arith.constant 0.899999976 : f32
      %mul3A_119 = vector.broadcast %mul3A_118 : f32 to vector<16xf32>
      %mul3A_120 = arith.mulf %mul3A_119, %mul3A_100 : vector<16xf32>
      %mul3A_121 = arith.mulf %mul3A_120, %mul3A_100 : vector<16xf32>
      %swap3A_122 = arith.index_cast %add3A_56 : i32 to index
      %swap3A_123 = arith.constant 0 : index
      %swap3A_124 = tpu.vector_load %arg18[%swap3A_122, %swap3A_123] {strides = array<i32>} : memref<320x16xf32, #tpu.memory_space<vmem>>, vector<1x16xf32>,
      %swap3A_125 = vector.shape_cast %swap3A_124 : vector<1x16xf32> to vector<16xf32>
      %swap3A_126 = vector.shape_cast %mul3A_121 : vector<16xf32> to vector<1x16xf32>
      tpu.vector_store %arg18[%swap3A_122, %swap3A_123], %swap3A_126 {strides = array<i32>} : memref<320x16xf32, #tpu.memory_space<vmem>>, vector<1x16xf32>,
      %swap3A_127 = arith.index_cast %add3A_56 : i32 to index
      %swap3A_128 = arith.constant 0 : index
      %swap3A_129 = tpu.vector_load %arg20[%swap3A_127, %swap3A_128] {strides = array<i32>} : memref<320x16xf32, #tpu.memory_space<vmem>>, vector<1x16xf32>,
      %swap3A_130 = vector.shape_cast %swap3A_129 : vector<1x16xf32> to vector<16xf32>
      %swap3A_131 = vector.shape_cast %mul3A_100 : vector<16xf32> to vector<1x16xf32>
      tpu.vector_store %arg20[%swap3A_127, %swap3A_128], %swap3A_131 {strides = array<i32>} : memref<320x16xf32, #tpu.memory_space<vmem>>, vector<1x16xf32>,
    }
    %scan3A_36 = arith.constant 320 : i32
    "tpu.region"() ({
      %run_scoped3A = tpu.sem_alloc : memref<!tpu.dma_semaphore, #tpu.memory_space<semaphore_mem>>
      %dma_start3A = arith.constant 0 : i32
      %dma_start3A_52 = tpu.memref_slice %arg8[%mul3A_3, %dma_start3A] : memref<10240x16xf32, #tpu.memory_space<vmem_shared>> -> memref<320x16xf32, #tpu.memory_space<vmem_shared>>
      %dma_start3A_53 = arith.constant 0 : i32
      %dma_start3A_54 = tpu.memref_slice %arg8[%mul3A_3, %dma_start3A_53] : memref<10240x16xf32, #tpu.memory_space<vmem_shared>> -> memref<320x16xf32, #tpu.memory_space<vmem_shared>>
      tpu.enqueue_dma source(%arg17 : memref<320x16xf32, #tpu.memory_space<vmem>>) target(%dma_start3A_54 : memref<320x16xf32, #tpu.memory_space<vmem_shared>>) target_semaphore(%run_scoped3A : memref<!tpu.dma_semaphore, #tpu.memory_space<semaphore_mem>>)
      %dma_wait3A = arith.constant 0 : i32
      %dma_wait3A_55 = tpu.memref_slice %arg8[%mul3A_3, %dma_wait3A] : memref<10240x16xf32, #tpu.memory_space<vmem_shared>> -> memref<320x16xf32, #tpu.memory_space<vmem_shared>>
      %dma_wait3A_56 = arith.constant 0 : i32
      %dma_wait3A_57 = tpu.memref_slice %arg8[%mul3A_3, %dma_wait3A_56] : memref<10240x16xf32, #tpu.memory_space<vmem_shared>> -> memref<320x16xf32, #tpu.memory_space<vmem_shared>>
      tpu.wait_dma2 semaphore(%run_scoped3A : memref<!tpu.dma_semaphore, #tpu.memory_space<semaphore_mem>>) src(%arg17 : memref<320x16xf32, #tpu.memory_space<vmem>>) dst(%dma_wait3A_57 : memref<320x16xf32, #tpu.memory_space<vmem_shared>>)
      tpu.yield
    }) : () -> ()
    "tpu.region"() ({
      %run_scoped3A = tpu.sem_alloc : memref<!tpu.dma_semaphore, #tpu.memory_space<semaphore_mem>>
      %dma_start3A = arith.constant 0 : i32
      %dma_start3A_52 = arith.constant 0 : i32
      %dma_start3A_53 = tpu.memref_slice %arg7[%arg0, %dma_start3A, %dma_start3A_52] : memref<2x5120x16xf32, #tpu.memory_space<hbm>> -> memref<1x5120x16xf32, #tpu.memory_space<hbm>>
      %dma_start3A_54 = tpu.memref_squeeze %dma_start3A_53 : memref<1x5120x16xf32, #tpu.memory_space<hbm>> -> memref<5120x16xf32, #tpu.memory_space<hbm>>
      %dma_start3A_55 = arith.constant 0 : i32
      %dma_start3A_56 = tpu.memref_slice %dma_start3A_54[%mul3A_5, %dma_start3A_55] : memref<5120x16xf32, #tpu.memory_space<hbm>> -> memref<320x16xf32, #tpu.memory_space<hbm>>
      %dma_start3A_57 = arith.constant 0 : i32
      %dma_start3A_58 = arith.constant 0 : i32
      %dma_start3A_59 = tpu.memref_slice %arg7[%arg0, %dma_start3A_57, %dma_start3A_58] : memref<2x5120x16xf32, #tpu.memory_space<hbm>> -> memref<1x5120x16xf32, #tpu.memory_space<hbm>>
      %dma_start3A_60 = tpu.memref_squeeze %dma_start3A_59 : memref<1x5120x16xf32, #tpu.memory_space<hbm>> -> memref<5120x16xf32, #tpu.memory_space<hbm>>
      %dma_start3A_61 = arith.constant 0 : i32
      %dma_start3A_62 = tpu.memref_slice %dma_start3A_60[%mul3A_5, %dma_start3A_61] : memref<5120x16xf32, #tpu.memory_space<hbm>> -> memref<320x16xf32, #tpu.memory_space<hbm>>
      tpu.enqueue_dma source(%arg17 : memref<320x16xf32, #tpu.memory_space<vmem>>) target(%dma_start3A_62 : memref<320x16xf32, #tpu.memory_space<hbm>>) target_semaphore(%run_scoped3A : memref<!tpu.dma_semaphore, #tpu.memory_space<semaphore_mem>>)
      %dma_wait3A = arith.constant 0 : i32
      %dma_wait3A_63 = arith.constant 0 : i32
      %dma_wait3A_64 = tpu.memref_slice %arg7[%arg0, %dma_wait3A, %dma_wait3A_63] : memref<2x5120x16xf32, #tpu.memory_space<hbm>> -> memref<1x5120x16xf32, #tpu.memory_space<hbm>>
      %dma_wait3A_65 = tpu.memref_squeeze %dma_wait3A_64 : memref<1x5120x16xf32, #tpu.memory_space<hbm>> -> memref<5120x16xf32, #tpu.memory_space<hbm>>
      %dma_wait3A_66 = arith.constant 0 : i32
      %dma_wait3A_67 = tpu.memref_slice %dma_wait3A_65[%mul3A_5, %dma_wait3A_66] : memref<5120x16xf32, #tpu.memory_space<hbm>> -> memref<320x16xf32, #tpu.memory_space<hbm>>
      %dma_wait3A_68 = arith.constant 0 : i32
      %dma_wait3A_69 = arith.constant 0 : i32
      %dma_wait3A_70 = tpu.memref_slice %arg7[%arg0, %dma_wait3A_68, %dma_wait3A_69] : memref<2x5120x16xf32, #tpu.memory_space<hbm>> -> memref<1x5120x16xf32, #tpu.memory_space<hbm>>
      %dma_wait3A_71 = tpu.memref_squeeze %dma_wait3A_70 : memref<1x5120x16xf32, #tpu.memory_space<hbm>> -> memref<5120x16xf32, #tpu.memory_space<hbm>>
      %dma_wait3A_72 = arith.constant 0 : i32
      %dma_wait3A_73 = tpu.memref_slice %dma_wait3A_71[%mul3A_5, %dma_wait3A_72] : memref<5120x16xf32, #tpu.memory_space<hbm>> -> memref<320x16xf32, #tpu.memory_space<hbm>>
      tpu.wait_dma2 semaphore(%run_scoped3A : memref<!tpu.dma_semaphore, #tpu.memory_space<semaphore_mem>>) src(%arg17 : memref<320x16xf32, #tpu.memory_space<vmem>>) dst(%dma_wait3A_73 : memref<320x16xf32, #tpu.memory_space<hbm>>)
      tpu.yield
    }) : () -> ()
    %barrier3A_37 = arith.constant 0 : index
    tpu.barrier barrier_id(%barrier3A_37)
    %semaphore_signal3A_38 = arith.constant 1 : i32
    tpu.sem_signal %arg25, %semaphore_signal3A_38 core_id %sub3A_1 : memref<!tpu.semaphore, #tpu.memory_space<semaphore_mem>>
    %semaphore_wait3A_39 = arith.constant 1 : i32
    %semaphore_wait3A_40 = arith.constant true
    tpu.sem_wait %arg25, %semaphore_wait3A_39 : memref<!tpu.semaphore, #tpu.memory_space<semaphore_mem>>
    "tpu.region"() ({
      %run_scoped3A = tpu.sem_alloc : memref<!tpu.dma_semaphore, #tpu.memory_space<semaphore_mem>>
      %dma_start3A = arith.constant 0 : i32
      %dma_start3A_52 = tpu.memref_slice %arg8[%add3A_8, %dma_start3A] : memref<10240x16xf32, #tpu.memory_space<vmem_shared>> -> memref<320x16xf32, #tpu.memory_space<vmem_shared>>
      %dma_start3A_53 = arith.constant 0 : i32
      %dma_start3A_54 = arith.constant 0 : i32
      %dma_start3A_55 = tpu.memref_slice %arg7[%sub3A_1, %dma_start3A_53, %dma_start3A_54] : memref<2x5120x16xf32, #tpu.memory_space<hbm>> -> memref<1x5120x16xf32, #tpu.memory_space<hbm>>
      %dma_start3A_56 = tpu.memref_squeeze %dma_start3A_55 : memref<1x5120x16xf32, #tpu.memory_space<hbm>> -> memref<5120x16xf32, #tpu.memory_space<hbm>>
      %dma_start3A_57 = arith.constant 0 : i32
      %dma_start3A_58 = tpu.memref_slice %dma_start3A_56[%mul3A_5, %dma_start3A_57] : memref<5120x16xf32, #tpu.memory_space<hbm>> -> memref<320x16xf32, #tpu.memory_space<hbm>>
      tpu.enqueue_dma source(%dma_start3A_58 : memref<320x16xf32, #tpu.memory_space<hbm>>) target(%dma_start3A_52 : memref<320x16xf32, #tpu.memory_space<vmem_shared>>) target_semaphore(%run_scoped3A : memref<!tpu.dma_semaphore, #tpu.memory_space<semaphore_mem>>)
      %dma_wait3A = arith.constant 0 : i32
      %dma_wait3A_59 = tpu.memref_slice %arg8[%add3A_8, %dma_wait3A] : memref<10240x16xf32, #tpu.memory_space<vmem_shared>> -> memref<320x16xf32, #tpu.memory_space<vmem_shared>>
      %dma_wait3A_60 = arith.constant 0 : i32
      %dma_wait3A_61 = arith.constant 0 : i32
      %dma_wait3A_62 = tpu.memref_slice %arg7[%sub3A_1, %dma_wait3A_60, %dma_wait3A_61] : memref<2x5120x16xf32, #tpu.memory_space<hbm>> -> memref<1x5120x16xf32, #tpu.memory_space<hbm>>
      %dma_wait3A_63 = tpu.memref_squeeze %dma_wait3A_62 : memref<1x5120x16xf32, #tpu.memory_space<hbm>> -> memref<5120x16xf32, #tpu.memory_space<hbm>>
      %dma_wait3A_64 = arith.constant 0 : i32
      %dma_wait3A_65 = tpu.memref_slice %dma_wait3A_63[%mul3A_5, %dma_wait3A_64] : memref<5120x16xf32, #tpu.memory_space<hbm>> -> memref<320x16xf32, #tpu.memory_space<hbm>>
      tpu.wait_dma2 semaphore(%run_scoped3A : memref<!tpu.dma_semaphore, #tpu.memory_space<semaphore_mem>>) src(%dma_wait3A_65 : memref<320x16xf32, #tpu.memory_space<hbm>>) dst(%dma_wait3A_59 : memref<320x16xf32, #tpu.memory_space<vmem_shared>>)
      tpu.yield
    }) : () -> ()
    %barrier3A_41 = arith.constant 0 : index
    tpu.barrier barrier_id(%barrier3A_41)
    %scan3A_42 = arith.constant 0 : i32
    %scan3A_43 = arith.constant 10 : i32
    %scan3A_44 = arith.addi %scan3A_42, %scan3A_43 : i32
    %scan3A_45 = arith.constant 1 : i32
    scf.for %scan3A_52 = %scan3A_42 to %scan3A_44 step %scan3A_45  : i32 {
      %mul3A_53 = arith.constant 1 : i32
      %mul3A_54 = arith.muli %scan3A_52, %mul3A_53 : i32
      %add3A_55 = arith.constant 0 : i32
      %add3A_56 = arith.addi %add3A_55, %mul3A_54 : i32
      %dma_start3A = arith.constant 0 : i32
      %dma_start3A_57 = arith.constant 0 : i32
      %dma_start3A_58 = arith.constant 0 : i32
      %dma_start3A_59 = arith.constant 0 : i32
      %dma_start3A_60 = tpu.memref_slice %arg12[%dma_start3A_57, %dma_start3A_58, %dma_start3A_59] : memref<1x1024x16xf32, #tpu.memory_space<vmem>> -> memref<1x1024x16xf32, #tpu.memory_space<vmem>>
      %dma_start3A_61 = tpu.memref_squeeze %dma_start3A_60 : memref<1x1024x16xf32, #tpu.memory_space<vmem>> -> memref<1024x16xf32, #tpu.memory_space<vmem>>
      %dma_start3A_62 = arith.constant 0 : i32
      %dma_start3A_63 = tpu.memref_slice %arg10[%dma_start3A, %dma_start3A_62] : memref<10x1024xi32, #tpu.memory_space<vmem>> -> memref<1x1024xi32, #tpu.memory_space<vmem>>
      %dma_start3A_64 = tpu.memref_squeeze %dma_start3A_63 : memref<1x1024xi32, #tpu.memory_space<vmem>> -> memref<1024xi32, #tpu.memory_space<vmem>>
      %dma_start3A_65 = arith.constant 0 : i32
      %dma_start3A_66 = arith.constant 0 : i32
      %dma_start3A_67 = tpu.memref_slice %arg8[%dma_start3A_65, %dma_start3A_66] : memref<10240x16xf32, #tpu.memory_space<vmem_shared>> -> memref<10240x16xf32, #tpu.memory_space<vmem_shared>>
      tpu.enqueue_indirect_dma source(%dma_start3A_67 : memref<10240x16xf32, #tpu.memory_space<vmem_shared>>) target(%dma_start3A_61 : memref<1024x16xf32, #tpu.memory_space<vmem>>) offsets(%dma_start3A_64 : memref<1024xi32, #tpu.memory_space<vmem>>) semaphore(%arg21 : memref<!tpu.dma_semaphore, #tpu.memory_space<semaphore_mem>>)
      %dma_wait3A = arith.constant 0 : i32
      %dma_wait3A_68 = arith.constant 0 : i32
      %dma_wait3A_69 = arith.constant 0 : i32
      %dma_wait3A_70 = arith.constant 0 : i32
      %dma_wait3A_71 = tpu.memref_slice %arg12[%dma_wait3A_68, %dma_wait3A_69, %dma_wait3A_70] : memref<1x1024x16xf32, #tpu.memory_space<vmem>> -> memref<1x1024x16xf32, #tpu.memory_space<vmem>>
      %dma_wait3A_72 = tpu.memref_squeeze %dma_wait3A_71 : memref<1x1024x16xf32, #tpu.memory_space<vmem>> -> memref<1024x16xf32, #tpu.memory_space<vmem>>
      %dma_wait3A_73 = arith.constant 0 : i32
      %dma_wait3A_74 = tpu.memref_slice %arg10[%dma_wait3A, %dma_wait3A_73] : memref<10x1024xi32, #tpu.memory_space<vmem>> -> memref<1x1024xi32, #tpu.memory_space<vmem>>
      %dma_wait3A_75 = tpu.memref_squeeze %dma_wait3A_74 : memref<1x1024xi32, #tpu.memory_space<vmem>> -> memref<1024xi32, #tpu.memory_space<vmem>>
      %dma_wait3A_76 = arith.constant 0 : i32
      %dma_wait3A_77 = arith.constant 0 : i32
      %dma_wait3A_78 = tpu.memref_slice %arg8[%dma_wait3A_76, %dma_wait3A_77] : memref<10240x16xf32, #tpu.memory_space<vmem_shared>> -> memref<10240x16xf32, #tpu.memory_space<vmem_shared>>
      tpu.wait_indirect_dma semaphore(%arg21 : memref<!tpu.dma_semaphore, #tpu.memory_space<semaphore_mem>>) src(%dma_wait3A_78 : memref<10240x16xf32, #tpu.memory_space<vmem_shared>>) dst(%dma_wait3A_72 : memref<1024x16xf32, #tpu.memory_space<vmem>>)
      %dma_start3A_79 = arith.constant 1 : i32
      %dma_start3A_80 = arith.constant 0 : i32
      %dma_start3A_81 = arith.constant 0 : i32
      %dma_start3A_82 = arith.constant 0 : i32
      %dma_start3A_83 = tpu.memref_slice %arg13[%dma_start3A_80, %dma_start3A_81, %dma_start3A_82] : memref<1x1024x16xf32, #tpu.memory_space<vmem>> -> memref<1x1024x16xf32, #tpu.memory_space<vmem>>
      %dma_start3A_84 = tpu.memref_squeeze %dma_start3A_83 : memref<1x1024x16xf32, #tpu.memory_space<vmem>> -> memref<1024x16xf32, #tpu.memory_space<vmem>>
      %dma_start3A_85 = arith.constant 0 : i32
      %dma_start3A_86 = tpu.memref_slice %arg10[%dma_start3A_79, %dma_start3A_85] : memref<10x1024xi32, #tpu.memory_space<vmem>> -> memref<1x1024xi32, #tpu.memory_space<vmem>>
      %dma_start3A_87 = tpu.memref_squeeze %dma_start3A_86 : memref<1x1024xi32, #tpu.memory_space<vmem>> -> memref<1024xi32, #tpu.memory_space<vmem>>
      %dma_start3A_88 = arith.constant 0 : i32
      %dma_start3A_89 = arith.constant 0 : i32
      %dma_start3A_90 = tpu.memref_slice %arg8[%dma_start3A_88, %dma_start3A_89] : memref<10240x16xf32, #tpu.memory_space<vmem_shared>> -> memref<10240x16xf32, #tpu.memory_space<vmem_shared>>
      tpu.enqueue_indirect_dma source(%dma_start3A_90 : memref<10240x16xf32, #tpu.memory_space<vmem_shared>>) target(%dma_start3A_84 : memref<1024x16xf32, #tpu.memory_space<vmem>>) offsets(%dma_start3A_87 : memref<1024xi32, #tpu.memory_space<vmem>>) semaphore(%arg22 : memref<!tpu.dma_semaphore, #tpu.memory_space<semaphore_mem>>)
      %dma_start3A_91 = arith.constant 0 : i32
      %dma_start3A_92 = arith.constant 0 : i32
      %dma_start3A_93 = arith.constant 0 : i32
      %dma_start3A_94 = arith.constant 0 : i32
      %dma_start3A_95 = tpu.memref_slice %arg12[%dma_start3A_91, %dma_start3A_93, %dma_start3A_94] : memref<1x1024x16xf32, #tpu.memory_space<vmem>> -> memref<1x1024x16xf32, #tpu.memory_space<vmem>>
      %dma_start3A_96 = tpu.memref_squeeze %dma_start3A_95 : memref<1x1024x16xf32, #tpu.memory_space<vmem>> -> memref<1024x16xf32, #tpu.memory_space<vmem>>
      %dma_start3A_97 = arith.constant 0 : i32
      %dma_start3A_98 = tpu.memref_slice %arg11[%dma_start3A_92, %dma_start3A_97] : memref<10x1024xi32, #tpu.memory_space<vmem>> -> memref<1x1024xi32, #tpu.memory_space<vmem>>
      %dma_start3A_99 = tpu.memref_squeeze %dma_start3A_98 : memref<1x1024xi32, #tpu.memory_space<vmem>> -> memref<1024xi32, #tpu.memory_space<vmem>>
      %dma_start3A_100 = arith.constant 0 : i32
      %dma_start3A_101 = arith.constant 0 : i32
      %dma_start3A_102 = tpu.memref_slice %arg9[%dma_start3A_100, %dma_start3A_101] : memref<10240x16xf32, #tpu.memory_space<vmem_shared>> -> memref<10240x16xf32, #tpu.memory_space<vmem_shared>>
      tpu.enqueue_indirect_dma source(%dma_start3A_96 : memref<1024x16xf32, #tpu.memory_space<vmem>>) target(%dma_start3A_102 : memref<10240x16xf32, #tpu.memory_space<vmem_shared>>) offsets(%dma_start3A_99 : memref<1024xi32, #tpu.memory_space<vmem>>) semaphore(%arg23 : memref<!tpu.dma_semaphore, #tpu.memory_space<semaphore_mem>>) {add = true}
      %scan3A_103 = arith.constant 0 : i32
      %scan3A_104 = arith.constant 4 : i32
      %scan3A_105 = arith.addi %scan3A_103, %scan3A_104 : i32
      %scan3A_106 = arith.constant 1 : i32
      scf.for %scan3A_226 = %scan3A_103 to %scan3A_105 step %scan3A_106  : i32 {
        %mul3A_227 = arith.constant 1 : i32
        %mul3A_228 = arith.muli %scan3A_226, %mul3A_227 : i32
        %add3A_229 = arith.constant 1 : i32
        %add3A_230 = arith.addi %add3A_229, %mul3A_228 : i32
        %mul3A_231 = arith.constant 2 : i32
        %mul3A_232 = arith.muli %mul3A_231, %add3A_230 : i32
        %add3A_233 = arith.constant 1 : i32
        %add3A_234 = arith.addi %mul3A_232, %add3A_233 : i32
        %sub3A_235 = arith.constant 2 : i32
        %sub3A_236 = arith.subi %mul3A_232, %sub3A_235 : i32
        %dma_wait3A_237 = arith.constant 0 : i32
        %dma_wait3A_238 = arith.constant 0 : i32
        %dma_wait3A_239 = arith.constant 0 : i32
        %dma_wait3A_240 = tpu.memref_slice %arg12[%dma_wait3A_237, %dma_wait3A_238, %dma_wait3A_239] : memref<1x1024x16xf32, #tpu.memory_space<vmem>> -> memref<1x1024x16xf32, #tpu.memory_space<vmem>>
        %dma_wait3A_241 = tpu.memref_squeeze %dma_wait3A_240 : memref<1x1024x16xf32, #tpu.memory_space<vmem>> -> memref<1024x16xf32, #tpu.memory_space<vmem>>
        %dma_wait3A_242 = arith.constant 0 : i32
        %dma_wait3A_243 = tpu.memref_slice %arg11[%sub3A_236, %dma_wait3A_242] : memref<10x1024xi32, #tpu.memory_space<vmem>> -> memref<1x1024xi32, #tpu.memory_space<vmem>>
        %dma_wait3A_244 = tpu.memref_squeeze %dma_wait3A_243 : memref<1x1024xi32, #tpu.memory_space<vmem>> -> memref<1024xi32, #tpu.memory_space<vmem>>
        %dma_wait3A_245 = arith.constant 0 : i32
        %dma_wait3A_246 = arith.constant 0 : i32
        %dma_wait3A_247 = tpu.memref_slice %arg9[%dma_wait3A_245, %dma_wait3A_246] : memref<10240x16xf32, #tpu.memory_space<vmem_shared>> -> memref<10240x16xf32, #tpu.memory_space<vmem_shared>>
        tpu.wait_indirect_dma semaphore(%arg23 : memref<!tpu.dma_semaphore, #tpu.memory_space<semaphore_mem>>) src(%dma_wait3A_241 : memref<1024x16xf32, #tpu.memory_space<vmem>>) dst(%dma_wait3A_247 : memref<10240x16xf32, #tpu.memory_space<vmem_shared>>)
        %dma_start3A_248 = arith.constant 0 : i32
        %dma_start3A_249 = arith.constant 0 : i32
        %dma_start3A_250 = arith.constant 0 : i32
        %dma_start3A_251 = tpu.memref_slice %arg12[%dma_start3A_248, %dma_start3A_249, %dma_start3A_250] : memref<1x1024x16xf32, #tpu.memory_space<vmem>> -> memref<1x1024x16xf32, #tpu.memory_space<vmem>>
        %dma_start3A_252 = tpu.memref_squeeze %dma_start3A_251 : memref<1x1024x16xf32, #tpu.memory_space<vmem>> -> memref<1024x16xf32, #tpu.memory_space<vmem>>
        %dma_start3A_253 = arith.constant 0 : i32
        %dma_start3A_254 = tpu.memref_slice %arg10[%mul3A_232, %dma_start3A_253] : memref<10x1024xi32, #tpu.memory_space<vmem>> -> memref<1x1024xi32, #tpu.memory_space<vmem>>
        %dma_start3A_255 = tpu.memref_squeeze %dma_start3A_254 : memref<1x1024xi32, #tpu.memory_space<vmem>> -> memref<1024xi32, #tpu.memory_space<vmem>>
        %dma_start3A_256 = arith.constant 0 : i32
        %dma_start3A_257 = arith.constant 0 : i32
        %dma_start3A_258 = tpu.memref_slice %arg8[%dma_start3A_256, %dma_start3A_257] : memref<10240x16xf32, #tpu.memory_space<vmem_shared>> -> memref<10240x16xf32, #tpu.memory_space<vmem_shared>>
        tpu.enqueue_indirect_dma source(%dma_start3A_258 : memref<10240x16xf32, #tpu.memory_space<vmem_shared>>) target(%dma_start3A_252 : memref<1024x16xf32, #tpu.memory_space<vmem>>) offsets(%dma_start3A_255 : memref<1024xi32, #tpu.memory_space<vmem>>) semaphore(%arg21 : memref<!tpu.dma_semaphore, #tpu.memory_space<semaphore_mem>>)
        %sub3A_259 = arith.constant 1 : i32
        %sub3A_260 = arith.subi %mul3A_232, %sub3A_259 : i32
        %dma_wait3A_261 = arith.constant 0 : i32
        %dma_wait3A_262 = arith.constant 0 : i32
        %dma_wait3A_263 = arith.constant 0 : i32
        %dma_wait3A_264 = tpu.memref_slice %arg13[%dma_wait3A_261, %dma_wait3A_262, %dma_wait3A_263] : memref<1x1024x16xf32, #tpu.memory_space<vmem>> -> memref<1x1024x16xf32, #tpu.memory_space<vmem>>
        %dma_wait3A_265 = tpu.memref_squeeze %dma_wait3A_264 : memref<1x1024x16xf32, #tpu.memory_space<vmem>> -> memref<1024x16xf32, #tpu.memory_space<vmem>>
        %dma_wait3A_266 = arith.constant 0 : i32
        %dma_wait3A_267 = tpu.memref_slice %arg10[%sub3A_260, %dma_wait3A_266] : memref<10x1024xi32, #tpu.memory_space<vmem>> -> memref<1x1024xi32, #tpu.memory_space<vmem>>
        %dma_wait3A_268 = tpu.memref_squeeze %dma_wait3A_267 : memref<1x1024xi32, #tpu.memory_space<vmem>> -> memref<1024xi32, #tpu.memory_space<vmem>>
        %dma_wait3A_269 = arith.constant 0 : i32
        %dma_wait3A_270 = arith.constant 0 : i32
        %dma_wait3A_271 = tpu.memref_slice %arg8[%dma_wait3A_269, %dma_wait3A_270] : memref<10240x16xf32, #tpu.memory_space<vmem_shared>> -> memref<10240x16xf32, #tpu.memory_space<vmem_shared>>
        tpu.wait_indirect_dma semaphore(%arg22 : memref<!tpu.dma_semaphore, #tpu.memory_space<semaphore_mem>>) src(%dma_wait3A_271 : memref<10240x16xf32, #tpu.memory_space<vmem_shared>>) dst(%dma_wait3A_265 : memref<1024x16xf32, #tpu.memory_space<vmem>>)
        %sub3A_272 = arith.constant 1 : i32
        %sub3A_273 = arith.subi %mul3A_232, %sub3A_272 : i32
        %dma_start3A_274 = arith.constant 0 : i32
        %dma_start3A_275 = arith.constant 0 : i32
        %dma_start3A_276 = arith.constant 0 : i32
        %dma_start3A_277 = tpu.memref_slice %arg13[%dma_start3A_274, %dma_start3A_275, %dma_start3A_276] : memref<1x1024x16xf32, #tpu.memory_space<vmem>> -> memref<1x1024x16xf32, #tpu.memory_space<vmem>>
        %dma_start3A_278 = tpu.memref_squeeze %dma_start3A_277 : memref<1x1024x16xf32, #tpu.memory_space<vmem>> -> memref<1024x16xf32, #tpu.memory_space<vmem>>
        %dma_start3A_279 = arith.constant 0 : i32
        %dma_start3A_280 = tpu.memref_slice %arg11[%sub3A_273, %dma_start3A_279] : memref<10x1024xi32, #tpu.memory_space<vmem>> -> memref<1x1024xi32, #tpu.memory_space<vmem>>
        %dma_start3A_281 = tpu.memref_squeeze %dma_start3A_280 : memref<1x1024xi32, #tpu.memory_space<vmem>> -> memref<1024xi32, #tpu.memory_space<vmem>>
        %dma_start3A_282 = arith.constant 0 : i32
        %dma_start3A_283 = arith.constant 0 : i32
        %dma_start3A_284 = tpu.memref_slice %arg9[%dma_start3A_282, %dma_start3A_283] : memref<10240x16xf32, #tpu.memory_space<vmem_shared>> -> memref<10240x16xf32, #tpu.memory_space<vmem_shared>>
        tpu.enqueue_indirect_dma source(%dma_start3A_278 : memref<1024x16xf32, #tpu.memory_space<vmem>>) target(%dma_start3A_284 : memref<10240x16xf32, #tpu.memory_space<vmem_shared>>) offsets(%dma_start3A_281 : memref<1024xi32, #tpu.memory_space<vmem>>) semaphore(%arg24 : memref<!tpu.dma_semaphore, #tpu.memory_space<semaphore_mem>>) {add = true}
        %sub3A_285 = arith.constant 1 : i32
        %sub3A_286 = arith.subi %mul3A_232, %sub3A_285 : i32
        %dma_wait3A_287 = arith.constant 0 : i32
        %dma_wait3A_288 = arith.constant 0 : i32
        %dma_wait3A_289 = arith.constant 0 : i32
        %dma_wait3A_290 = tpu.memref_slice %arg13[%dma_wait3A_287, %dma_wait3A_288, %dma_wait3A_289] : memref<1x1024x16xf32, #tpu.memory_space<vmem>> -> memref<1x1024x16xf32, #tpu.memory_space<vmem>>
        %dma_wait3A_291 = tpu.memref_squeeze %dma_wait3A_290 : memref<1x1024x16xf32, #tpu.memory_space<vmem>> -> memref<1024x16xf32, #tpu.memory_space<vmem>>
        %dma_wait3A_292 = arith.constant 0 : i32
        %dma_wait3A_293 = tpu.memref_slice %arg11[%sub3A_286, %dma_wait3A_292] : memref<10x1024xi32, #tpu.memory_space<vmem>> -> memref<1x1024xi32, #tpu.memory_space<vmem>>
        %dma_wait3A_294 = tpu.memref_squeeze %dma_wait3A_293 : memref<1x1024xi32, #tpu.memory_space<vmem>> -> memref<1024xi32, #tpu.memory_space<vmem>>
        %dma_wait3A_295 = arith.constant 0 : i32
        %dma_wait3A_296 = arith.constant 0 : i32
        %dma_wait3A_297 = tpu.memref_slice %arg9[%dma_wait3A_295, %dma_wait3A_296] : memref<10240x16xf32, #tpu.memory_space<vmem_shared>> -> memref<10240x16xf32, #tpu.memory_space<vmem_shared>>
        tpu.wait_indirect_dma semaphore(%arg24 : memref<!tpu.dma_semaphore, #tpu.memory_space<semaphore_mem>>) src(%dma_wait3A_291 : memref<1024x16xf32, #tpu.memory_space<vmem>>) dst(%dma_wait3A_297 : memref<10240x16xf32, #tpu.memory_space<vmem_shared>>)
        %dma_start3A_298 = arith.constant 0 : i32
        %dma_start3A_299 = arith.constant 0 : i32
        %dma_start3A_300 = arith.constant 0 : i32
        %dma_start3A_301 = tpu.memref_slice %arg13[%dma_start3A_298, %dma_start3A_299, %dma_start3A_300] : memref<1x1024x16xf32, #tpu.memory_space<vmem>> -> memref<1x1024x16xf32, #tpu.memory_space<vmem>>
        %dma_start3A_302 = tpu.memref_squeeze %dma_start3A_301 : memref<1x1024x16xf32, #tpu.memory_space<vmem>> -> memref<1024x16xf32, #tpu.memory_space<vmem>>
        %dma_start3A_303 = arith.constant 0 : i32
        %dma_start3A_304 = tpu.memref_slice %arg10[%add3A_234, %dma_start3A_303] : memref<10x1024xi32, #tpu.memory_space<vmem>> -> memref<1x1024xi32, #tpu.memory_space<vmem>>
        %dma_start3A_305 = tpu.memref_squeeze %dma_start3A_304 : memref<1x1024xi32, #tpu.memory_space<vmem>> -> memref<1024xi32, #tpu.memory_space<vmem>>
        %dma_start3A_306 = arith.constant 0 : i32
        %dma_start3A_307 = arith.constant 0 : i32
        %dma_start3A_308 = tpu.memref_slice %arg8[%dma_start3A_306, %dma_start3A_307] : memref<10240x16xf32, #tpu.memory_space<vmem_shared>> -> memref<10240x16xf32, #tpu.memory_space<vmem_shared>>
        tpu.enqueue_indirect_dma source(%dma_start3A_308 : memref<10240x16xf32, #tpu.memory_space<vmem_shared>>) target(%dma_start3A_302 : memref<1024x16xf32, #tpu.memory_space<vmem>>) offsets(%dma_start3A_305 : memref<1024xi32, #tpu.memory_space<vmem>>) semaphore(%arg22 : memref<!tpu.dma_semaphore, #tpu.memory_space<semaphore_mem>>)
        %dma_wait3A_309 = arith.constant 0 : i32
        %dma_wait3A_310 = arith.constant 0 : i32
        %dma_wait3A_311 = arith.constant 0 : i32
        %dma_wait3A_312 = tpu.memref_slice %arg12[%dma_wait3A_309, %dma_wait3A_310, %dma_wait3A_311] : memref<1x1024x16xf32, #tpu.memory_space<vmem>> -> memref<1x1024x16xf32, #tpu.memory_space<vmem>>
        %dma_wait3A_313 = tpu.memref_squeeze %dma_wait3A_312 : memref<1x1024x16xf32, #tpu.memory_space<vmem>> -> memref<1024x16xf32, #tpu.memory_space<vmem>>
        %dma_wait3A_314 = arith.constant 0 : i32
        %dma_wait3A_315 = tpu.memref_slice %arg10[%mul3A_232, %dma_wait3A_314] : memref<10x1024xi32, #tpu.memory_space<vmem>> -> memref<1x1024xi32, #tpu.memory_space<vmem>>
        %dma_wait3A_316 = tpu.memref_squeeze %dma_wait3A_315 : memref<1x1024xi32, #tpu.memory_space<vmem>> -> memref<1024xi32, #tpu.memory_space<vmem>>
        %dma_wait3A_317 = arith.constant 0 : i32
        %dma_wait3A_318 = arith.constant 0 : i32
        %dma_wait3A_319 = tpu.memref_slice %arg8[%dma_wait3A_317, %dma_wait3A_318] : memref<10240x16xf32, #tpu.memory_space<vmem_shared>> -> memref<10240x16xf32, #tpu.memory_space<vmem_shared>>
        tpu.wait_indirect_dma semaphore(%arg21 : memref<!tpu.dma_semaphore, #tpu.memory_space<semaphore_mem>>) src(%dma_wait3A_319 : memref<10240x16xf32, #tpu.memory_space<vmem_shared>>) dst(%dma_wait3A_313 : memref<1024x16xf32, #tpu.memory_space<vmem>>)
        %dma_start3A_320 = arith.constant 0 : i32
        %dma_start3A_321 = arith.constant 0 : i32
        %dma_start3A_322 = arith.constant 0 : i32
        %dma_start3A_323 = tpu.memref_slice %arg12[%dma_start3A_320, %dma_start3A_321, %dma_start3A_322] : memref<1x1024x16xf32, #tpu.memory_space<vmem>> -> memref<1x1024x16xf32, #tpu.memory_space<vmem>>
        %dma_start3A_324 = tpu.memref_squeeze %dma_start3A_323 : memref<1x1024x16xf32, #tpu.memory_space<vmem>> -> memref<1024x16xf32, #tpu.memory_space<vmem>>
        %dma_start3A_325 = arith.constant 0 : i32
        %dma_start3A_326 = tpu.memref_slice %arg11[%mul3A_232, %dma_start3A_325] : memref<10x1024xi32, #tpu.memory_space<vmem>> -> memref<1x1024xi32, #tpu.memory_space<vmem>>
        %dma_start3A_327 = tpu.memref_squeeze %dma_start3A_326 : memref<1x1024xi32, #tpu.memory_space<vmem>> -> memref<1024xi32, #tpu.memory_space<vmem>>
        %dma_start3A_328 = arith.constant 0 : i32
        %dma_start3A_329 = arith.constant 0 : i32
        %dma_start3A_330 = tpu.memref_slice %arg9[%dma_start3A_328, %dma_start3A_329] : memref<10240x16xf32, #tpu.memory_space<vmem_shared>> -> memref<10240x16xf32, #tpu.memory_space<vmem_shared>>
        tpu.enqueue_indirect_dma source(%dma_start3A_324 : memref<1024x16xf32, #tpu.memory_space<vmem>>) target(%dma_start3A_330 : memref<10240x16xf32, #tpu.memory_space<vmem_shared>>) offsets(%dma_start3A_327 : memref<1024xi32, #tpu.memory_space<vmem>>) semaphore(%arg23 : memref<!tpu.dma_semaphore, #tpu.memory_space<semaphore_mem>>) {add = true}
      }
      %scan3A_107 = arith.constant 4 : i32
      %dma_wait3A_108 = arith.constant 9 : i32
      %dma_wait3A_109 = arith.constant 0 : i32
      %dma_wait3A_110 = arith.constant 0 : i32
      %dma_wait3A_111 = arith.constant 0 : i32
      %dma_wait3A_112 = tpu.memref_slice %arg13[%dma_wait3A_109, %dma_wait3A_110, %dma_wait3A_111] : memref<1x1024x16xf32, #tpu.memory_space<vmem>> -> memref<1x1024x16xf32, #tpu.memory_space<vmem>>
      %dma_wait3A_113 = tpu.memref_squeeze %dma_wait3A_112 : memref<1x1024x16xf32, #tpu.memory_space<vmem>> -> memref<1024x16xf32, #tpu.memory_space<vmem>>
      %dma_wait3A_114 = arith.constant 0 : i32
      %dma_wait3A_115 = tpu.memref_slice %arg10[%dma_wait3A_108, %dma_wait3A_114] : memref<10x1024xi32, #tpu.memory_space<vmem>> -> memref<1x1024xi32, #tpu.memory_space<vmem>>
      %dma_wait3A_116 = tpu.memref_squeeze %dma_wait3A_115 : memref<1x1024xi32, #tpu.memory_space<vmem>> -> memref<1024xi32, #tpu.memory_space<vmem>>
      %dma_wait3A_117 = arith.constant 0 : i32
      %dma_wait3A_118 = arith.constant 0 : i32
      %dma_wait3A_119 = tpu.memref_slice %arg8[%dma_wait3A_117, %dma_wait3A_118] : memref<10240x16xf32, #tpu.memory_space<vmem_shared>> -> memref<10240x16xf32, #tpu.memory_space<vmem_shared>>
      tpu.wait_indirect_dma semaphore(%arg22 : memref<!tpu.dma_semaphore, #tpu.memory_space<semaphore_mem>>) src(%dma_wait3A_119 : memref<10240x16xf32, #tpu.memory_space<vmem_shared>>) dst(%dma_wait3A_113 : memref<1024x16xf32, #tpu.memory_space<vmem>>)
      %dma_wait3A_120 = arith.constant 0 : i32
      %dma_wait3A_121 = arith.constant 8 : i32
      %dma_wait3A_122 = arith.constant 0 : i32
      %dma_wait3A_123 = arith.constant 0 : i32
      %dma_wait3A_124 = tpu.memref_slice %arg12[%dma_wait3A_120, %dma_wait3A_122, %dma_wait3A_123] : memref<1x1024x16xf32, #tpu.memory_space<vmem>> -> memref<1x1024x16xf32, #tpu.memory_space<vmem>>
      %dma_wait3A_125 = tpu.memref_squeeze %dma_wait3A_124 : memref<1x1024x16xf32, #tpu.memory_space<vmem>> -> memref<1024x16xf32, #tpu.memory_space<vmem>>
      %dma_wait3A_126 = arith.constant 0 : i32
      %dma_wait3A_127 = tpu.memref_slice %arg11[%dma_wait3A_121, %dma_wait3A_126] : memref<10x1024xi32, #tpu.memory_space<vmem>> -> memref<1x1024xi32, #tpu.memory_space<vmem>>
      %dma_wait3A_128 = tpu.memref_squeeze %dma_wait3A_127 : memref<1x1024xi32, #tpu.memory_space<vmem>> -> memref<1024xi32, #tpu.memory_space<vmem>>
      %dma_wait3A_129 = arith.constant 0 : i32
      %dma_wait3A_130 = arith.constant 0 : i32
      %dma_wait3A_131 = tpu.memref_slice %arg9[%dma_wait3A_129, %dma_wait3A_130] : memref<10240x16xf32, #tpu.memory_space<vmem_shared>> -> memref<10240x16xf32, #tpu.memory_space<vmem_shared>>
      tpu.wait_indirect_dma semaphore(%arg23 : memref<!tpu.dma_semaphore, #tpu.memory_space<semaphore_mem>>) src(%dma_wait3A_125 : memref<1024x16xf32, #tpu.memory_space<vmem>>) dst(%dma_wait3A_131 : memref<10240x16xf32, #tpu.memory_space<vmem_shared>>)
      %dma_start3A_132 = arith.constant 0 : i32
      %dma_start3A_133 = arith.constant 9 : i32
      %dma_start3A_134 = arith.constant 0 : i32
      %dma_start3A_135 = arith.constant 0 : i32
      %dma_start3A_136 = tpu.memref_slice %arg13[%dma_start3A_132, %dma_start3A_134, %dma_start3A_135] : memref<1x1024x16xf32, #tpu.memory_space<vmem>> -> memref<1x1024x16xf32, #tpu.memory_space<vmem>>
      %dma_start3A_137 = tpu.memref_squeeze %dma_start3A_136 : memref<1x1024x16xf32, #tpu.memory_space<vmem>> -> memref<1024x16xf32, #tpu.memory_space<vmem>>
      %dma_start3A_138 = arith.constant 0 : i32
      %dma_start3A_139 = tpu.memref_slice %arg11[%dma_start3A_133, %dma_start3A_138] : memref<10x1024xi32, #tpu.memory_space<vmem>> -> memref<1x1024xi32, #tpu.memory_space<vmem>>
      %dma_start3A_140 = tpu.memref_squeeze %dma_start3A_139 : memref<1x1024xi32, #tpu.memory_space<vmem>> -> memref<1024xi32, #tpu.memory_space<vmem>>
      %dma_start3A_141 = arith.constant 0 : i32
      %dma_start3A_142 = arith.constant 0 : i32
      %dma_start3A_143 = tpu.memref_slice %arg9[%dma_start3A_141, %dma_start3A_142] : memref<10240x16xf32, #tpu.memory_space<vmem_shared>> -> memref<10240x16xf32, #tpu.memory_space<vmem_shared>>
      tpu.enqueue_indirect_dma source(%dma_start3A_137 : memref<1024x16xf32, #tpu.memory_space<vmem>>) target(%dma_start3A_143 : memref<10240x16xf32, #tpu.memory_space<vmem_shared>>) offsets(%dma_start3A_140 : memref<1024xi32, #tpu.memory_space<vmem>>) semaphore(%arg24 : memref<!tpu.dma_semaphore, #tpu.memory_space<semaphore_mem>>) {add = true}
      %dma_wait3A_144 = arith.constant 0 : i32
      %dma_wait3A_145 = arith.constant 9 : i32
      %dma_wait3A_146 = arith.constant 0 : i32
      %dma_wait3A_147 = arith.constant 0 : i32
      %dma_wait3A_148 = tpu.memref_slice %arg13[%dma_wait3A_144, %dma_wait3A_146, %dma_wait3A_147] : memref<1x1024x16xf32, #tpu.memory_space<vmem>> -> memref<1x1024x16xf32, #tpu.memory_space<vmem>>
      %dma_wait3A_149 = tpu.memref_squeeze %dma_wait3A_148 : memref<1x1024x16xf32, #tpu.memory_space<vmem>> -> memref<1024x16xf32, #tpu.memory_space<vmem>>
      %dma_wait3A_150 = arith.constant 0 : i32
      %dma_wait3A_151 = tpu.memref_slice %arg11[%dma_wait3A_145, %dma_wait3A_150] : memref<10x1024xi32, #tpu.memory_space<vmem>> -> memref<1x1024xi32, #tpu.memory_space<vmem>>
      %dma_wait3A_152 = tpu.memref_squeeze %dma_wait3A_151 : memref<1x1024xi32, #tpu.memory_space<vmem>> -> memref<1024xi32, #tpu.memory_space<vmem>>
      %dma_wait3A_153 = arith.constant 0 : i32
      %dma_wait3A_154 = arith.constant 0 : i32
      %dma_wait3A_155 = tpu.memref_slice %arg9[%dma_wait3A_153, %dma_wait3A_154] : memref<10240x16xf32, #tpu.memory_space<vmem_shared>> -> memref<10240x16xf32, #tpu.memory_space<vmem_shared>>
      tpu.wait_indirect_dma semaphore(%arg24 : memref<!tpu.dma_semaphore, #tpu.memory_space<semaphore_mem>>) src(%dma_wait3A_149 : memref<1024x16xf32, #tpu.memory_space<vmem>>) dst(%dma_wait3A_155 : memref<10240x16xf32, #tpu.memory_space<vmem_shared>>)
      %barrier3A_156 = arith.constant 0 : index
      tpu.barrier barrier_id(%barrier3A_156)
      "tpu.region"() ({
        %run_scoped3A = tpu.sem_alloc : memref<!tpu.dma_semaphore, #tpu.memory_space<semaphore_mem>>
        %dma_start3A_226 = arith.constant 0 : i32
        %dma_start3A_227 = arith.constant 0 : i32
        %dma_start3A_228 = tpu.memref_slice %arg6[%arg0, %dma_start3A_226, %dma_start3A_227] : memref<2x5120x16xf32, #tpu.memory_space<hbm>> -> memref<1x5120x16xf32, #tpu.memory_space<hbm>>
        %dma_start3A_229 = tpu.memref_squeeze %dma_start3A_228 : memref<1x5120x16xf32, #tpu.memory_space<hbm>> -> memref<5120x16xf32, #tpu.memory_space<hbm>>
        %dma_start3A_230 = arith.constant 0 : i32
        %dma_start3A_231 = tpu.memref_slice %dma_start3A_229[%mul3A_5, %dma_start3A_230] : memref<5120x16xf32, #tpu.memory_space<hbm>> -> memref<320x16xf32, #tpu.memory_space<hbm>>
        %dma_start3A_232 = arith.constant 0 : i32
        %dma_start3A_233 = tpu.memref_slice %arg9[%add3A_8, %dma_start3A_232] : memref<10240x16xf32, #tpu.memory_space<vmem_shared>> -> memref<320x16xf32, #tpu.memory_space<vmem_shared>>
        tpu.enqueue_dma source(%dma_start3A_233 : memref<320x16xf32, #tpu.memory_space<vmem_shared>>) target(%dma_start3A_231 : memref<320x16xf32, #tpu.memory_space<hbm>>) target_semaphore(%run_scoped3A : memref<!tpu.dma_semaphore, #tpu.memory_space<semaphore_mem>>)
        %dma_wait3A_234 = arith.constant 0 : i32
        %dma_wait3A_235 = arith.constant 0 : i32
        %dma_wait3A_236 = tpu.memref_slice %arg6[%arg0, %dma_wait3A_234, %dma_wait3A_235] : memref<2x5120x16xf32, #tpu.memory_space<hbm>> -> memref<1x5120x16xf32, #tpu.memory_space<hbm>>
        %dma_wait3A_237 = tpu.memref_squeeze %dma_wait3A_236 : memref<1x5120x16xf32, #tpu.memory_space<hbm>> -> memref<5120x16xf32, #tpu.memory_space<hbm>>
        %dma_wait3A_238 = arith.constant 0 : i32
        %dma_wait3A_239 = tpu.memref_slice %dma_wait3A_237[%mul3A_5, %dma_wait3A_238] : memref<5120x16xf32, #tpu.memory_space<hbm>> -> memref<320x16xf32, #tpu.memory_space<hbm>>
        %dma_wait3A_240 = arith.constant 0 : i32
        %dma_wait3A_241 = tpu.memref_slice %arg9[%add3A_8, %dma_wait3A_240] : memref<10240x16xf32, #tpu.memory_space<vmem_shared>> -> memref<320x16xf32, #tpu.memory_space<vmem_shared>>
        tpu.wait_dma2 semaphore(%run_scoped3A : memref<!tpu.dma_semaphore, #tpu.memory_space<semaphore_mem>>) src(%dma_wait3A_241 : memref<320x16xf32, #tpu.memory_space<vmem_shared>>) dst(%dma_wait3A_239 : memref<320x16xf32, #tpu.memory_space<hbm>>)
        tpu.yield
      }) : () -> ()
      %dma_start3A_157 = arith.constant 0 : i32
      %dma_start3A_158 = tpu.memref_slice %arg9[%add3A_8, %dma_start3A_157] : memref<10240x16xf32, #tpu.memory_space<vmem_shared>> -> memref<320x16xf32, #tpu.memory_space<vmem_shared>>
      %dma_start3A_159 = arith.constant 0 : i32
      %dma_start3A_160 = tpu.memref_slice %arg9[%add3A_8, %dma_start3A_159] : memref<10240x16xf32, #tpu.memory_space<vmem_shared>> -> memref<320x16xf32, #tpu.memory_space<vmem_shared>>
      tpu.enqueue_dma source(%arg16 : memref<320x16xf32, #tpu.memory_space<vmem>>) target(%dma_start3A_160 : memref<320x16xf32, #tpu.memory_space<vmem_shared>>) target_semaphore(%arg24 : memref<!tpu.dma_semaphore, #tpu.memory_space<semaphore_mem>>)
      %semaphore_signal3A_161 = arith.constant 1 : i32
      tpu.sem_signal %arg25, %semaphore_signal3A_161 core_id %sub3A_1 : memref<!tpu.semaphore, #tpu.memory_space<semaphore_mem>>
      %dma_wait3A_162 = arith.constant 0 : i32
      %dma_wait3A_163 = tpu.memref_slice %arg9[%add3A_8, %dma_wait3A_162] : memref<10240x16xf32, #tpu.memory_space<vmem_shared>> -> memref<320x16xf32, #tpu.memory_space<vmem_shared>>
      %dma_wait3A_164 = arith.constant 0 : i32
      %dma_wait3A_165 = tpu.memref_slice %arg9[%add3A_8, %dma_wait3A_164] : memref<10240x16xf32, #tpu.memory_space<vmem_shared>> -> memref<320x16xf32, #tpu.memory_space<vmem_shared>>
      tpu.wait_dma2 semaphore(%arg24 : memref<!tpu.dma_semaphore, #tpu.memory_space<semaphore_mem>>) src(%arg16 : memref<320x16xf32, #tpu.memory_space<vmem>>) dst(%dma_wait3A_165 : memref<320x16xf32, #tpu.memory_space<vmem_shared>>)
      %semaphore_wait3A_166 = arith.constant 1 : i32
      %semaphore_wait3A_167 = arith.constant true
      tpu.sem_wait %arg25, %semaphore_wait3A_166 : memref<!tpu.semaphore, #tpu.memory_space<semaphore_mem>>
      %dma_start3A_168 = arith.constant 0 : i32
      %dma_start3A_169 = tpu.memref_slice %arg9[%mul3A_3, %dma_start3A_168] : memref<10240x16xf32, #tpu.memory_space<vmem_shared>> -> memref<320x16xf32, #tpu.memory_space<vmem_shared>>
      %dma_start3A_170 = arith.constant 0 : i32
      %dma_start3A_171 = tpu.memref_slice %arg9[%mul3A_3, %dma_start3A_170] : memref<10240x16xf32, #tpu.memory_space<vmem_shared>> -> memref<320x16xf32, #tpu.memory_space<vmem_shared>>
      tpu.enqueue_dma source(%dma_start3A_171 : memref<320x16xf32, #tpu.memory_space<vmem_shared>>) target(%arg14 : memref<320x16xf32, #tpu.memory_space<vmem>>) target_semaphore(%arg21 : memref<!tpu.dma_semaphore, #tpu.memory_space<semaphore_mem>>)
      %dma_start3A_172 = arith.constant 0 : i32
      %dma_start3A_173 = arith.constant 0 : i32
      %dma_start3A_174 = tpu.memref_slice %arg6[%sub3A_1, %dma_start3A_172, %dma_start3A_173] : memref<2x5120x16xf32, #tpu.memory_space<hbm>> -> memref<1x5120x16xf32, #tpu.memory_space<hbm>>
      %dma_start3A_175 = tpu.memref_squeeze %dma_start3A_174 : memref<1x5120x16xf32, #tpu.memory_space<hbm>> -> memref<5120x16xf32, #tpu.memory_space<hbm>>
      %dma_start3A_176 = arith.constant 0 : i32
      %dma_start3A_177 = tpu.memref_slice %dma_start3A_175[%mul3A_5, %dma_start3A_176] : memref<5120x16xf32, #tpu.memory_space<hbm>> -> memref<320x16xf32, #tpu.memory_space<hbm>>
      %dma_start3A_178 = arith.constant 0 : i32
      %dma_start3A_179 = arith.constant 0 : i32
      %dma_start3A_180 = tpu.memref_slice %arg6[%sub3A_1, %dma_start3A_178, %dma_start3A_179] : memref<2x5120x16xf32, #tpu.memory_space<hbm>> -> memref<1x5120x16xf32, #tpu.memory_space<hbm>>
      %dma_start3A_181 = tpu.memref_squeeze %dma_start3A_180 : memref<1x5120x16xf32, #tpu.memory_space<hbm>> -> memref<5120x16xf32, #tpu.memory_space<hbm>>
      %dma_start3A_182 = arith.constant 0 : i32
      %dma_start3A_183 = tpu.memref_slice %dma_start3A_181[%mul3A_5, %dma_start3A_182] : memref<5120x16xf32, #tpu.memory_space<hbm>> -> memref<320x16xf32, #tpu.memory_space<hbm>>
      tpu.enqueue_dma source(%dma_start3A_183 : memref<320x16xf32, #tpu.memory_space<hbm>>) target(%arg15 : memref<320x16xf32, #tpu.memory_space<vmem>>) target_semaphore(%arg22 : memref<!tpu.dma_semaphore, #tpu.memory_space<semaphore_mem>>)
      %dma_wait3A_184 = arith.constant 0 : i32
      %dma_wait3A_185 = tpu.memref_slice %arg9[%mul3A_3, %dma_wait3A_184] : memref<10240x16xf32, #tpu.memory_space<vmem_shared>> -> memref<320x16xf32, #tpu.memory_space<vmem_shared>>
      %dma_wait3A_186 = arith.constant 0 : i32
      %dma_wait3A_187 = tpu.memref_slice %arg9[%mul3A_3, %dma_wait3A_186] : memref<10240x16xf32, #tpu.memory_space<vmem_shared>> -> memref<320x16xf32, #tpu.memory_space<vmem_shared>>
      tpu.wait_dma2 semaphore(%arg21 : memref<!tpu.dma_semaphore, #tpu.memory_space<semaphore_mem>>) src(%dma_wait3A_187 : memref<320x16xf32, #tpu.memory_space<vmem_shared>>) dst(%arg14 : memref<320x16xf32, #tpu.memory_space<vmem>>)
      %dma_start3A_188 = arith.constant 0 : i32
      %dma_start3A_189 = tpu.memref_slice %arg9[%mul3A_3, %dma_start3A_188] : memref<10240x16xf32, #tpu.memory_space<vmem_shared>> -> memref<320x16xf32, #tpu.memory_space<vmem_shared>>
      %dma_start3A_190 = arith.constant 0 : i32
      %dma_start3A_191 = tpu.memref_slice %arg9[%mul3A_3, %dma_start3A_190] : memref<10240x16xf32, #tpu.memory_space<vmem_shared>> -> memref<320x16xf32, #tpu.memory_space<vmem_shared>>
      tpu.enqueue_dma source(%arg16 : memref<320x16xf32, #tpu.memory_space<vmem>>) target(%dma_start3A_191 : memref<320x16xf32, #tpu.memory_space<vmem_shared>>) target_semaphore(%arg23 : memref<!tpu.dma_semaphore, #tpu.memory_space<semaphore_mem>>)
      %dma_wait3A_192 = arith.constant 0 : i32
      %dma_wait3A_193 = arith.constant 0 : i32
      %dma_wait3A_194 = tpu.memref_slice %arg6[%sub3A_1, %dma_wait3A_192, %dma_wait3A_193] : memref<2x5120x16xf32, #tpu.memory_space<hbm>> -> memref<1x5120x16xf32, #tpu.memory_space<hbm>>
      %dma_wait3A_195 = tpu.memref_squeeze %dma_wait3A_194 : memref<1x5120x16xf32, #tpu.memory_space<hbm>> -> memref<5120x16xf32, #tpu.memory_space<hbm>>
      %dma_wait3A_196 = arith.constant 0 : i32
      %dma_wait3A_197 = tpu.memref_slice %dma_wait3A_195[%mul3A_5, %dma_wait3A_196] : memref<5120x16xf32, #tpu.memory_space<hbm>> -> memref<320x16xf32, #tpu.memory_space<hbm>>
      %dma_wait3A_198 = arith.constant 0 : i32
      %dma_wait3A_199 = arith.constant 0 : i32
      %dma_wait3A_200 = tpu.memref_slice %arg6[%sub3A_1, %dma_wait3A_198, %dma_wait3A_199] : memref<2x5120x16xf32, #tpu.memory_space<hbm>> -> memref<1x5120x16xf32, #tpu.memory_space<hbm>>
      %dma_wait3A_201 = tpu.memref_squeeze %dma_wait3A_200 : memref<1x5120x16xf32, #tpu.memory_space<hbm>> -> memref<5120x16xf32, #tpu.memory_space<hbm>>
      %dma_wait3A_202 = arith.constant 0 : i32
      %dma_wait3A_203 = tpu.memref_slice %dma_wait3A_201[%mul3A_5, %dma_wait3A_202] : memref<5120x16xf32, #tpu.memory_space<hbm>> -> memref<320x16xf32, #tpu.memory_space<hbm>>
      tpu.wait_dma2 semaphore(%arg22 : memref<!tpu.dma_semaphore, #tpu.memory_space<semaphore_mem>>) src(%dma_wait3A_203 : memref<320x16xf32, #tpu.memory_space<hbm>>) dst(%arg15 : memref<320x16xf32, #tpu.memory_space<vmem>>)
      %scan3A_204 = arith.constant 0 : i32
      %scan3A_205 = arith.constant 320 : i32
      %scan3A_206 = arith.addi %scan3A_204, %scan3A_205 : i32
      %scan3A_207 = arith.constant 1 : i32
      scf.for %scan3A_226 = %scan3A_204 to %scan3A_206 step %scan3A_207  : i32 {
        %mul3A_227 = arith.constant 1 : i32
        %mul3A_228 = arith.muli %scan3A_226, %mul3A_227 : i32
        %add3A_229 = arith.constant 0 : i32
        %add3A_230 = arith.addi %add3A_229, %mul3A_228 : i32
        %get3A = arith.index_cast %add3A_230 : i32 to index
        %get3A_231 = arith.constant 0 : index
        %get3A_232 = tpu.vector_load %arg18[%get3A, %get3A_231] {strides = array<i32>} : memref<320x16xf32, #tpu.memory_space<vmem>>, vector<1x16xf32>,
        %get3A_233 = vector.shape_cast %get3A_232 : vector<1x16xf32> to vector<16xf32>
        %get3A_234 = arith.index_cast %add3A_230 : i32 to index
        %get3A_235 = arith.constant 0 : index
        %get3A_236 = tpu.vector_load %arg14[%get3A_234, %get3A_235] {strides = array<i32>} : memref<320x16xf32, #tpu.memory_space<vmem>>, vector<1x16xf32>,
        %get3A_237 = vector.shape_cast %get3A_236 : vector<1x16xf32> to vector<16xf32>
        %get3A_238 = arith.index_cast %add3A_230 : i32 to index
        %get3A_239 = arith.constant 0 : index
        %get3A_240 = tpu.vector_load %arg15[%get3A_238, %get3A_239] {strides = array<i32>} : memref<320x16xf32, #tpu.memory_space<vmem>>, vector<1x16xf32>,
        %get3A_241 = vector.shape_cast %get3A_240 : vector<1x16xf32> to vector<16xf32>
        %add3A_242 = arith.addf %get3A_237, %get3A_241 : vector<16xf32>
        %get3A_243 = arith.index_cast %add3A_230 : i32 to index
        %get3A_244 = arith.constant 0 : index
        %get3A_245 = tpu.vector_load %arg17[%get3A_243, %get3A_244] {strides = array<i32>} : memref<320x16xf32, #tpu.memory_space<vmem>>, vector<1x16xf32>,
        %get3A_246 = vector.shape_cast %get3A_245 : vector<1x16xf32> to vector<16xf32>
        %add3A_247 = arith.addf %add3A_242, %get3A_246 : vector<16xf32>
        %mul3A_248 = arith.mulf %get3A_233, %add3A_247 : vector<16xf32>
        %get3A_249 = arith.index_cast %add3A_230 : i32 to index
        %get3A_250 = arith.constant 0 : index
        %get3A_251 = tpu.vector_load %arg19[%get3A_249, %get3A_250] {strides = array<i32>} : memref<320x16xf32, #tpu.memory_space<vmem>>, vector<1x16xf32>,
        %get3A_252 = vector.shape_cast %get3A_251 : vector<1x16xf32> to vector<16xf32>
        %add3A_253 = arith.addf %mul3A_248, %get3A_252 : vector<16xf32>
        %swap3A = arith.index_cast %add3A_230 : i32 to index
        %swap3A_254 = arith.constant 0 : index
        %swap3A_255 = tpu.vector_load %arg17[%swap3A, %swap3A_254] {strides = array<i32>} : memref<320x16xf32, #tpu.memory_space<vmem>>, vector<1x16xf32>,
        %swap3A_256 = vector.shape_cast %swap3A_255 : vector<1x16xf32> to vector<16xf32>
        %swap3A_257 = vector.shape_cast %add3A_253 : vector<16xf32> to vector<1x16xf32>
        tpu.vector_store %arg17[%swap3A, %swap3A_254], %swap3A_257 {strides = array<i32>} : memref<320x16xf32, #tpu.memory_space<vmem>>, vector<1x16xf32>,
      }
      %scan3A_208 = arith.constant 320 : i32
      %dma_start3A_209 = arith.constant 0 : i32
      %dma_start3A_210 = tpu.memref_slice %arg8[%mul3A_3, %dma_start3A_209] : memref<10240x16xf32, #tpu.memory_space<vmem_shared>> -> memref<320x16xf32, #tpu.memory_space<vmem_shared>>
      %dma_start3A_211 = arith.constant 0 : i32
      %dma_start3A_212 = tpu.memref_slice %arg8[%mul3A_3, %dma_start3A_211] : memref<10240x16xf32, #tpu.memory_space<vmem_shared>> -> memref<320x16xf32, #tpu.memory_space<vmem_shared>>
      tpu.enqueue_dma source(%arg17 : memref<320x16xf32, #tpu.memory_space<vmem>>) target(%dma_start3A_212 : memref<320x16xf32, #tpu.memory_space<vmem_shared>>) target_semaphore(%arg24 : memref<!tpu.dma_semaphore, #tpu.memory_space<semaphore_mem>>)
      "tpu.region"() ({
        %run_scoped3A = tpu.sem_alloc : memref<!tpu.dma_semaphore, #tpu.memory_space<semaphore_mem>>
        %dma_start3A_226 = arith.constant 0 : i32
        %dma_start3A_227 = arith.constant 0 : i32
        %dma_start3A_228 = tpu.memref_slice %arg7[%arg0, %dma_start3A_226, %dma_start3A_227] : memref<2x5120x16xf32, #tpu.memory_space<hbm>> -> memref<1x5120x16xf32, #tpu.memory_space<hbm>>
        %dma_start3A_229 = tpu.memref_squeeze %dma_start3A_228 : memref<1x5120x16xf32, #tpu.memory_space<hbm>> -> memref<5120x16xf32, #tpu.memory_space<hbm>>
        %dma_start3A_230 = arith.constant 0 : i32
        %dma_start3A_231 = tpu.memref_slice %dma_start3A_229[%mul3A_5, %dma_start3A_230] : memref<5120x16xf32, #tpu.memory_space<hbm>> -> memref<320x16xf32, #tpu.memory_space<hbm>>
        %dma_start3A_232 = arith.constant 0 : i32
        %dma_start3A_233 = arith.constant 0 : i32
        %dma_start3A_234 = tpu.memref_slice %arg7[%arg0, %dma_start3A_232, %dma_start3A_233] : memref<2x5120x16xf32, #tpu.memory_space<hbm>> -> memref<1x5120x16xf32, #tpu.memory_space<hbm>>
        %dma_start3A_235 = tpu.memref_squeeze %dma_start3A_234 : memref<1x5120x16xf32, #tpu.memory_space<hbm>> -> memref<5120x16xf32, #tpu.memory_space<hbm>>
        %dma_start3A_236 = arith.constant 0 : i32
        %dma_start3A_237 = tpu.memref_slice %dma_start3A_235[%mul3A_5, %dma_start3A_236] : memref<5120x16xf32, #tpu.memory_space<hbm>> -> memref<320x16xf32, #tpu.memory_space<hbm>>
        tpu.enqueue_dma source(%arg17 : memref<320x16xf32, #tpu.memory_space<vmem>>) target(%dma_start3A_237 : memref<320x16xf32, #tpu.memory_space<hbm>>) target_semaphore(%run_scoped3A : memref<!tpu.dma_semaphore, #tpu.memory_space<semaphore_mem>>)
        %dma_wait3A_238 = arith.constant 0 : i32
        %dma_wait3A_239 = arith.constant 0 : i32
        %dma_wait3A_240 = tpu.memref_slice %arg7[%arg0, %dma_wait3A_238, %dma_wait3A_239] : memref<2x5120x16xf32, #tpu.memory_space<hbm>> -> memref<1x5120x16xf32, #tpu.memory_space<hbm>>
        %dma_wait3A_241 = tpu.memref_squeeze %dma_wait3A_240 : memref<1x5120x16xf32, #tpu.memory_space<hbm>> -> memref<5120x16xf32, #tpu.memory_space<hbm>>
        %dma_wait3A_242 = arith.constant 0 : i32
        %dma_wait3A_243 = tpu.memref_slice %dma_wait3A_241[%mul3A_5, %dma_wait3A_242] : memref<5120x16xf32, #tpu.memory_space<hbm>> -> memref<320x16xf32, #tpu.memory_space<hbm>>
        %dma_wait3A_244 = arith.constant 0 : i32
        %dma_wait3A_245 = arith.constant 0 : i32
        %dma_wait3A_246 = tpu.memref_slice %arg7[%arg0, %dma_wait3A_244, %dma_wait3A_245] : memref<2x5120x16xf32, #tpu.memory_space<hbm>> -> memref<1x5120x16xf32, #tpu.memory_space<hbm>>
        %dma_wait3A_247 = tpu.memref_squeeze %dma_wait3A_246 : memref<1x5120x16xf32, #tpu.memory_space<hbm>> -> memref<5120x16xf32, #tpu.memory_space<hbm>>
        %dma_wait3A_248 = arith.constant 0 : i32
        %dma_wait3A_249 = tpu.memref_slice %dma_wait3A_247[%mul3A_5, %dma_wait3A_248] : memref<5120x16xf32, #tpu.memory_space<hbm>> -> memref<320x16xf32, #tpu.memory_space<hbm>>
        tpu.wait_dma2 semaphore(%run_scoped3A : memref<!tpu.dma_semaphore, #tpu.memory_space<semaphore_mem>>) src(%arg17 : memref<320x16xf32, #tpu.memory_space<vmem>>) dst(%dma_wait3A_249 : memref<320x16xf32, #tpu.memory_space<hbm>>)
        tpu.yield
      }) : () -> ()
      %dma_wait3A_213 = arith.constant 0 : i32
      %dma_wait3A_214 = tpu.memref_slice %arg9[%mul3A_3, %dma_wait3A_213] : memref<10240x16xf32, #tpu.memory_space<vmem_shared>> -> memref<320x16xf32, #tpu.memory_space<vmem_shared>>
      %dma_wait3A_215 = arith.constant 0 : i32
      %dma_wait3A_216 = tpu.memref_slice %arg9[%mul3A_3, %dma_wait3A_215] : memref<10240x16xf32, #tpu.memory_space<vmem_shared>> -> memref<320x16xf32, #tpu.memory_space<vmem_shared>>
      tpu.wait_dma2 semaphore(%arg23 : memref<!tpu.dma_semaphore, #tpu.memory_space<semaphore_mem>>) src(%arg16 : memref<320x16xf32, #tpu.memory_space<vmem>>) dst(%dma_wait3A_216 : memref<320x16xf32, #tpu.memory_space<vmem_shared>>)
      %dma_wait3A_217 = arith.constant 0 : i32
      %dma_wait3A_218 = tpu.memref_slice %arg8[%mul3A_3, %dma_wait3A_217] : memref<10240x16xf32, #tpu.memory_space<vmem_shared>> -> memref<320x16xf32, #tpu.memory_space<vmem_shared>>
      %dma_wait3A_219 = arith.constant 0 : i32
      %dma_wait3A_220 = tpu.memref_slice %arg8[%mul3A_3, %dma_wait3A_219] : memref<10240x16xf32, #tpu.memory_space<vmem_shared>> -> memref<320x16xf32, #tpu.memory_space<vmem_shared>>
      tpu.wait_dma2 semaphore(%arg24 : memref<!tpu.dma_semaphore, #tpu.memory_space<semaphore_mem>>) src(%arg17 : memref<320x16xf32, #tpu.memory_space<vmem>>) dst(%dma_wait3A_220 : memref<320x16xf32, #tpu.memory_space<vmem_shared>>)
      %barrier3A_221 = arith.constant 0 : index
      tpu.barrier barrier_id(%barrier3A_221)
      %semaphore_signal3A_222 = arith.constant 1 : i32
      tpu.sem_signal %arg25, %semaphore_signal3A_222 core_id %sub3A_1 : memref<!tpu.semaphore, #tpu.memory_space<semaphore_mem>>
      %semaphore_wait3A_223 = arith.constant 1 : i32
      %semaphore_wait3A_224 = arith.constant true
      tpu.sem_wait %arg25, %semaphore_wait3A_223 : memref<!tpu.semaphore, #tpu.memory_space<semaphore_mem>>
      "tpu.region"() ({
        %run_scoped3A = tpu.sem_alloc : memref<!tpu.dma_semaphore, #tpu.memory_space<semaphore_mem>>
        %dma_start3A_226 = arith.constant 0 : i32
        %dma_start3A_227 = tpu.memref_slice %arg8[%add3A_8, %dma_start3A_226] : memref<10240x16xf32, #tpu.memory_space<vmem_shared>> -> memref<320x16xf32, #tpu.memory_space<vmem_shared>>
        %dma_start3A_228 = arith.constant 0 : i32
        %dma_start3A_229 = arith.constant 0 : i32
        %dma_start3A_230 = tpu.memref_slice %arg7[%sub3A_1, %dma_start3A_228, %dma_start3A_229] : memref<2x5120x16xf32, #tpu.memory_space<hbm>> -> memref<1x5120x16xf32, #tpu.memory_space<hbm>>
        %dma_start3A_231 = tpu.memref_squeeze %dma_start3A_230 : memref<1x5120x16xf32, #tpu.memory_space<hbm>> -> memref<5120x16xf32, #tpu.memory_space<hbm>>
        %dma_start3A_232 = arith.constant 0 : i32
        %dma_start3A_233 = tpu.memref_slice %dma_start3A_231[%mul3A_5, %dma_start3A_232] : memref<5120x16xf32, #tpu.memory_space<hbm>> -> memref<320x16xf32, #tpu.memory_space<hbm>>
        tpu.enqueue_dma source(%dma_start3A_233 : memref<320x16xf32, #tpu.memory_space<hbm>>) target(%dma_start3A_227 : memref<320x16xf32, #tpu.memory_space<vmem_shared>>) target_semaphore(%run_scoped3A : memref<!tpu.dma_semaphore, #tpu.memory_space<semaphore_mem>>)
        %dma_wait3A_234 = arith.constant 0 : i32
        %dma_wait3A_235 = tpu.memref_slice %arg8[%add3A_8, %dma_wait3A_234] : memref<10240x16xf32, #tpu.memory_space<vmem_shared>> -> memref<320x16xf32, #tpu.memory_space<vmem_shared>>
        %dma_wait3A_236 = arith.constant 0 : i32
        %dma_wait3A_237 = arith.constant 0 : i32
        %dma_wait3A_238 = tpu.memref_slice %arg7[%sub3A_1, %dma_wait3A_236, %dma_wait3A_237] : memref<2x5120x16xf32, #tpu.memory_space<hbm>> -> memref<1x5120x16xf32, #tpu.memory_space<hbm>>
        %dma_wait3A_239 = tpu.memref_squeeze %dma_wait3A_238 : memref<1x5120x16xf32, #tpu.memory_space<hbm>> -> memref<5120x16xf32, #tpu.memory_space<hbm>>
        %dma_wait3A_240 = arith.constant 0 : i32
        %dma_wait3A_241 = tpu.memref_slice %dma_wait3A_239[%mul3A_5, %dma_wait3A_240] : memref<5120x16xf32, #tpu.memory_space<hbm>> -> memref<320x16xf32, #tpu.memory_space<hbm>>
        tpu.wait_dma2 semaphore(%run_scoped3A : memref<!tpu.dma_semaphore, #tpu.memory_space<semaphore_mem>>) src(%dma_wait3A_241 : memref<320x16xf32, #tpu.memory_space<hbm>>) dst(%dma_wait3A_235 : memref<320x16xf32, #tpu.memory_space<vmem_shared>>)
        tpu.yield
      }) : () -> ()
      %barrier3A_225 = arith.constant 0 : index
      tpu.barrier barrier_id(%barrier3A_225)
    }
    %scan3A_46 = arith.constant 10 : i32
    %scan3A_47 = arith.constant 0 : i32
    %scan3A_48 = arith.constant 320 : i32
    %scan3A_49 = arith.addi %scan3A_47, %scan3A_48 : i32
    %scan3A_50 = arith.constant 1 : i32
    scf.for %scan3A_52 = %scan3A_47 to %scan3A_49 step %scan3A_50  : i32 {
      %mul3A_53 = arith.constant 1 : i32
      %mul3A_54 = arith.muli %scan3A_52, %mul3A_53 : i32
      %add3A_55 = arith.constant 0 : i32
      %add3A_56 = arith.addi %add3A_55, %mul3A_54 : i32
      %get3A = arith.index_cast %add3A_56 : i32 to index
      %get3A_57 = arith.constant 0 : index
      %get3A_58 = tpu.vector_load %arg17[%get3A, %get3A_57] {strides = array<i32>} : memref<320x16xf32, #tpu.memory_space<vmem>>, vector<1x16xf32>,
      %get3A_59 = vector.shape_cast %get3A_58 : vector<1x16xf32> to vector<16xf32>
      %get3A_60 = arith.index_cast %add3A_56 : i32 to index
      %get3A_61 = arith.constant 0 : index
      %get3A_62 = tpu.vector_load %arg20[%get3A_60, %get3A_61] {strides = array<i32>} : memref<320x16xf32, #tpu.memory_space<vmem>>, vector<1x16xf32>,
      %get3A_63 = vector.shape_cast %get3A_62 : vector<1x16xf32> to vector<16xf32>
      %div3A = arith.divf %get3A_59, %get3A_63 : vector<16xf32>
      %swap3A = arith.index_cast %add3A_56 : i32 to index
      %swap3A_64 = arith.constant 0 : index
      %swap3A_65 = tpu.vector_load %arg15[%swap3A, %swap3A_64] {strides = array<i32>} : memref<320x16xf32, #tpu.memory_space<vmem>>, vector<1x16xf32>,
      %swap3A_66 = vector.shape_cast %swap3A_65 : vector<1x16xf32> to vector<16xf32>
      %swap3A_67 = vector.shape_cast %div3A : vector<16xf32> to vector<1x16xf32>
      tpu.vector_store %arg15[%swap3A, %swap3A_64], %swap3A_67 {strides = array<i32>} : memref<320x16xf32, #tpu.memory_space<vmem>>, vector<1x16xf32>,
    }
    %scan3A_51 = arith.constant 320 : i32
    "tpu.region"() ({
      %run_scoped3A = tpu.sem_alloc : memref<!tpu.dma_semaphore, #tpu.memory_space<semaphore_mem>>
      %dma_start3A = arith.constant 0 : i32
      %dma_start3A_52 = tpu.memref_slice %arg5[%mul3A_3, %dma_start3A] : memref<10240x16xf32, #tpu.memory_space<hbm>> -> memref<320x16xf32, #tpu.memory_space<hbm>>
      %dma_start3A_53 = arith.constant 0 : i32
      %dma_start3A_54 = tpu.memref_slice %arg5[%mul3A_3, %dma_start3A_53] : memref<10240x16xf32, #tpu.memory_space<hbm>> -> memref<320x16xf32, #tpu.memory_space<hbm>>
      tpu.enqueue_dma source(%arg15 : memref<320x16xf32, #tpu.memory_space<vmem>>) target(%dma_start3A_54 : memref<320x16xf32, #tpu.memory_space<hbm>>) target_semaphore(%run_scoped3A : memref<!tpu.dma_semaphore, #tpu.memory_space<semaphore_mem>>)
      %dma_wait3A = arith.constant 0 : i32
      %dma_wait3A_55 = tpu.memref_slice %arg5[%mul3A_3, %dma_wait3A] : memref<10240x16xf32, #tpu.memory_space<hbm>> -> memref<320x16xf32, #tpu.memory_space<hbm>>
      %dma_wait3A_56 = arith.constant 0 : i32
      %dma_wait3A_57 = tpu.memref_slice %arg5[%mul3A_3, %dma_wait3A_56] : memref<10240x16xf32, #tpu.memory_space<hbm>> -> memref<320x16xf32, #tpu.memory_space<hbm>>
      tpu.wait_dma2 semaphore(%run_scoped3A : memref<!tpu.dma_semaphore, #tpu.memory_space<semaphore_mem>>) src(%arg15 : memref<320x16xf32, #tpu.memory_space<vmem>>) dst(%dma_wait3A_57 : memref<320x16xf32, #tpu.memory_space<hbm>>)
      tpu.yield
    }) : () -> ()
    return
  }
}

module attributes {stable_mosaic.version = 14 : i64} {
  func.func @_mlp_body(%arg0: i32, %arg1: memref<1000x128xf32, #tpu.memory_space<vmem>>, %arg2: memref<64x128xf32, #tpu.memory_space<vmem>>, %arg3: memref<1x64xf32, #tpu.memory_space<vmem>>, %arg4: memref<16x64xf32, #tpu.memory_space<vmem>>, %arg5: memref<1x16xf32, #tpu.memory_space<vmem>>, %arg6: memref<1000x16xf32, #tpu.memory_space<vmem>>) attributes {dimension_semantics = [#tpu.dimension_semantics<arbitrary>], iteration_bounds = array<i64: 10>, scalar_prefetch = 0 : i64, scratch_operands = 0 : i64, tpu.core_type = #tpu.core_type<tc>, window_params = [{transform_indices = @transform_0, window_bounds = array<i64: 1000, 128>}, {pipeline_mode = #tpu.pipeline_mode<synchronous>, transform_indices = @transform_1, window_bounds = array<i64: 64, 128>}, {pipeline_mode = #tpu.pipeline_mode<synchronous>, transform_indices = @transform_2, window_bounds = array<i64: 1, 64>}, {pipeline_mode = #tpu.pipeline_mode<synchronous>, transform_indices = @transform_3, window_bounds = array<i64: 16, 64>}, {pipeline_mode = #tpu.pipeline_mode<synchronous>, transform_indices = @transform_4, window_bounds = array<i64: 1, 16>}, {transform_indices = @transform_5, window_bounds = array<i64: 1000, 16>}]} {
    %get3A = arith.constant 0 : index
    %get3A_0 = arith.constant 0 : index
    %get3A_1 = vector.load %arg1[%get3A, %get3A_0] : memref<1000x128xf32, #tpu.memory_space<vmem>>, vector<1000x128xf32>
    %get3A_2 = arith.constant 0 : index
    %get3A_3 = arith.constant 0 : index
    %get3A_4 = vector.load %arg2[%get3A_2, %get3A_3] : memref<64x128xf32, #tpu.memory_space<vmem>>, vector<64x128xf32>
    %dot_general3A = arith.constant dense<0.000000e+00> : vector<1000x64xf32>
    %dot_general3A_5 = tpu.matmul %get3A_1, %get3A_4, %dot_general3A {dimension_numbers = #tpu.dot_dimension_numbers<[1], [1], [0], [0], [0, 0, 1, 0], [], []>, transpose_lhs_hint = false} : vector<1000x128xf32>, vector<64x128xf32>, vector<1000x64xf32> -> vector<1000x64xf32>
    %get3A_6 = arith.constant 0 : index
    %get3A_7 = arith.constant 0 : index
    %get3A_8 = vector.load %arg3[%get3A_6, %get3A_7] : memref<1x64xf32, #tpu.memory_space<vmem>>, vector<1x64xf32>
    %add3A = vector.broadcast %get3A_8 : vector<1x64xf32> to vector<1000x64xf32>
    %add3A_9 = arith.addf %dot_general3A_5, %add3A : vector<1000x64xf32>
    %max3A = arith.constant 0.000000e+00 : f32
    %max3A_10 = vector.broadcast %max3A : f32 to vector<1000x64xf32>
    %max3A_11 = arith.maximumf %add3A_9, %max3A_10 : vector<1000x64xf32>
    %get3A_12 = arith.constant 0 : index
    %get3A_13 = arith.constant 0 : index
    %get3A_14 = vector.load %arg4[%get3A_12, %get3A_13] : memref<16x64xf32, #tpu.memory_space<vmem>>, vector<16x64xf32>
    %dot_general3A_15 = arith.constant dense<0.000000e+00> : vector<1000x16xf32>
    %dot_general3A_16 = tpu.matmul %max3A_11, %get3A_14, %dot_general3A_15 {dimension_numbers = #tpu.dot_dimension_numbers<[1], [1], [0], [0], [0, 0, 1, 0], [], []>, transpose_lhs_hint = false} : vector<1000x64xf32>, vector<16x64xf32>, vector<1000x16xf32> -> vector<1000x16xf32>
    %get3A_17 = arith.constant 0 : index
    %get3A_18 = arith.constant 0 : index
    %get3A_19 = vector.load %arg5[%get3A_17, %get3A_18] : memref<1x16xf32, #tpu.memory_space<vmem>>, vector<1x16xf32>
    %add3A_20 = vector.broadcast %get3A_19 : vector<1x16xf32> to vector<1000x16xf32>
    %add3A_21 = arith.addf %dot_general3A_16, %add3A_20 : vector<1000x16xf32>
    %max3A_22 = arith.constant 0.000000e+00 : f32
    %max3A_23 = vector.broadcast %max3A_22 : f32 to vector<1000x16xf32>
    %max3A_24 = arith.maximumf %add3A_21, %max3A_23 : vector<1000x16xf32>
    %swap3A = arith.constant 0 : index
    %swap3A_25 = arith.constant 0 : index
    %swap3A_26 = vector.load %arg6[%swap3A, %swap3A_25] : memref<1000x16xf32, #tpu.memory_space<vmem>>, vector<1000x16xf32>
    tpu.vector_store %arg6[%swap3A, %swap3A_25], %max3A_24 {strides = array<i32>} : memref<1000x16xf32, #tpu.memory_space<vmem>>, vector<1000x16xf32>,
    return
  }
  func.func @transform_0(%arg0: i32) -> (i32, i32) {
    %c0_i32 = arith.constant 0 : i32
    %c0_i32_0 = arith.constant 0 : i32
    return %arg0, %c0_i32 : i32, i32
  }
  func.func @transform_1(%arg0: i32) -> (i32, i32) {
    %c0_i32 = arith.constant 0 : i32
    %c0_i32_0 = arith.constant 0 : i32
    %c0_i32_1 = arith.constant 0 : i32
    return %c0_i32, %c0_i32_0 : i32, i32
  }
  func.func @transform_2(%arg0: i32) -> (i32, i32) {
    %c0_i32 = arith.constant 0 : i32
    %c0_i32_0 = arith.constant 0 : i32
    %c0_i32_1 = arith.constant 0 : i32
    return %c0_i32, %c0_i32_0 : i32, i32
  }
  func.func @transform_3(%arg0: i32) -> (i32, i32) {
    %c0_i32 = arith.constant 0 : i32
    %c0_i32_0 = arith.constant 0 : i32
    %c0_i32_1 = arith.constant 0 : i32
    return %c0_i32, %c0_i32_0 : i32, i32
  }
  func.func @transform_4(%arg0: i32) -> (i32, i32) {
    %c0_i32 = arith.constant 0 : i32
    %c0_i32_0 = arith.constant 0 : i32
    %c0_i32_1 = arith.constant 0 : i32
    return %c0_i32, %c0_i32_0 : i32, i32
  }
  func.func @transform_5(%arg0: i32) -> (i32, i32) {
    %c0_i32 = arith.constant 0 : i32
    %c0_i32_0 = arith.constant 0 : i32
    return %arg0, %c0_i32 : i32, i32
  }
}

</mosaic_0001>

<sc_bundles>
// kernel: kernel.4.cloned.1.call-start
scs
__scs_entry_jumppad:
0x0: {  	(pc) =	sbr.rel $0x88, $3  }
0x1: {  	(tag) =	ssettag $0x0;
	lr =	simm.s32 $0x1  }
0x2: {  	[smem:$0x3F9B] =	sst lr;
	_ =	strace $0xD0000000  }
0x3: {  	_ = 	snop  }
0x4: {  	_ = 	snop  }
0x5: {  	_ = 	snop  }
0x6: {  	_ = 	snop  }
0x7: {  	_ = 	snop  }
__scs_overlays_trampoline_lowered:
0x8: {  	[smem:$0x3FAA] =	sst s0  }
0x9: {  	[smem:$0x3FAB] =	sst s1  }
0xa: {  	[smem:$0x3FAC] =	sst s2  }
0xb: {  	[smem:$0x3FAD] =	sst s3  }
0xc: {  	[smem:$0x3FAE] =	sst s4  }
0xd: {  	[smem:$0x3FAF] =	sst s5  }
0xe: {  	[smem:$0x3FB0] =	sst s6  }
0xf: {  	[smem:$0x3FB1] =	sst s7  }
0x10: {  	[smem:$0x3FB2] =	sst s8  }
0x11: {  	[smem:$0x3FB3] =	sst s9;
	s0 =	simm.s32 @!p0 $0x0  }
0x12: {  	s1 =	sld [smem:$0x3F99];
	s0 =	simm.s32 @p0 $0x1  }
0x13: {  	[smem:$0x3FB4] =	sst s0;
	s0 =	simm.s32 @!p1 $0x0  }
0x14: {  	s2 =	sld [smem:$0x3F98];
	s0 =	simm.s32 @p1 $0x1  }
0x15: {  	[smem:$0x3FB5] =	sst s0;
	s0 =	simm.s32 @!p2 $0x0  }
0x16: {  	s3 =	sld [smem:$0x3FDB];
	s0 =	simm.s32 @p2 $0x1  }
0x17: {  	s4 =	simm.s32 $0x1BF5;
	[smem:$0x3FB7] =	sst s0  }
0x18: {  	s0 =	sld [smem:$0x3F9A];
	_ =	swait.ge [sflag:s4], $0x0  }
0x19: {  	s7 =	sld [smem:$0x3F9B]  }
0x1a: {  	s8 =	sadd.s32 $0xFFFFE003, lr  }
0x1b: {  	s9 =	sadd.s32 $0xFFFFFEF7, lr;
	s5 =	simm.s32 $0xFFFFFFFF;
	p2 =	slt.u32 s8, $0xFFFFF086  }
0x1c: {  	p1 =	slt.u32 s9, $0xF7A;
	s5 =	simm.s32 @!p2 $0x0  }
0x1d: {  	s5 =	simm.s32 @p1 $0x1;
	p0 =	seq.s32 s7, s2  }
0x1e: {  	s7 =	smul.u32 @!p0 $0xF7A, s2;
	p2 =	seq.s32 @!p0 s5, $0x0  }
0x1f: {  	s9 =	smul.u32 $0xF7A, s1;
	s8 =	simm.s32 @!p0 $0x1BF5;
	p2 =	por !p2, p0  }
0x20: {  	[sflag:s8] =	ssyncset.s32 @!p0 $0xFFFFF086;
	s6 =	sadd.s32 @!p0 s3, s7;
	s7 =	simm.s32 @!p0 $0x108  }
0x21: {  	s3 =	sadd.s32 s3, s9;
	s6 =	sadd.s32 @!p0 $0x88, s6;
	s7 =	simm.s32 @p2 $0x1082  }
0x22: {  	[simem:s7], [sflag:s8] =	dma.local @!p0 [hbm:s6], $0xF7A  }
0x23: {  	s9 =	sor.u32 $0xD0000000, s2;
	s6 =	simm.s32 $0x108;
	_ =	swait.ge @!p0 [sflag:s8], $0x0  }
0x24: {  	s3 =	sadd.s32 $0x88, s3;
	s6 =	simm.s32 @!p1 $0x1082;
	[sflag:s4] =	ssyncset.s32 $0xFFFFF086  }
0x25: {  	[simem:s6], [sflag:s4] =	dma.local [hbm:s3], $0xF7A  }
0x26: {  	[smem:$0x3F9B] =	sst s1;
	(tag) =	ssettag s2;
	_ =	strace s9  }
0x27: {  	s1 =	sld [smem:$0x3FAB]  }
0x28: {  	s2 =	sld [smem:$0x3FAC]  }
0x29: {  	s4 =	sld [smem:$0x3FAE]  }
0x2a: {  	p0 =	seq.s32 s5, $0x0;
	s5 =	sld [smem:$0x3FAF]  }
0x2b: {  	s6 =	sld [smem:$0x3FB0]  }
0x2c: {  	s7 =	sld [smem:$0x3FB1]  }
0x2d: {  	s3 =	simm.s32 $0x108;
	s8 =	sld [smem:$0x3FB2]  }
0x2e: {  	s3 =	simm.s32 @!p0 $0x1082;
	s9 =	sld [smem:$0x3FB3]  }
0x2f: {  	lr =	sadd.s32 s0, s3;
	s0 =	sld [smem:$0x3FAA]  }
0x30: {  	s3 =	sld [smem:$0x3FAD]  }
0x31: {  	[smem:$0x3FB6] =	sst s10  }
0x32: {  	s10 =	sld [smem:$0x3FB4];
	_ =	sdelay $0x3  }
0x33: {  	p0 =	seq.s32 s10, $0x1;
	s10 =	sld [smem:$0x3FB6];
	_ =	sdelay $0x3  }
0x34: {  	[smem:$0x3FB6] =	sst s10  }
0x35: {  	s10 =	sld [smem:$0x3FB5];
	_ =	sdelay $0x3  }
0x36: {  	p1 =	seq.s32 s10, $0x1;
	s10 =	sld [smem:$0x3FB6];
	_ =	sdelay $0x3  }
0x37: {  	[smem:$0x3FB6] =	sst s10  }
0x38: {  	s10 =	sld [smem:$0x3FB7]  }
0x39: {  	_ = 	snop;
	(pc) =	sbr.ind lr, $3  }
0x3a: {  	_ = 	snop  }
0x3b: {  	_ = 	snop  }
0x3c: {  	p2 =	seq.s32 s10, $0x1;
	s10 =	sld [smem:$0x3FB6]  }
0x3d: {  	_ =	shalt  }
0x3e: {  	_ =	shalt  }
0x3f: {  	_ =	shalt  }
0x40: {  	_ =	shalt  }
0x41: {  	_ =	shalt  }
0x42: {  	_ =	shalt  }
0x43: {  	_ =	shalt  }
0x44: {  	_ =	shalt  }
0x45: {  	_ =	shalt  }
0x46: {  	_ =	shalt  }
0x47: {  	_ =	shalt  }
0x48: {  	_ =	shalt  }
0x49: {  	_ =	shalt  }
0x4a: {  	_ =	shalt  }
0x4b: {  	_ =	shalt  }
0x4c: {  	_ =	shalt  }
0x4d: {  	_ =	shalt  }
0x4e: {  	_ =	shalt  }
0x4f: {  	_ =	shalt  }
0x50: {  	_ =	shalt  }
0x51: {  	_ =	shalt  }
0x52: {  	_ =	shalt  }
0x53: {  	_ =	shalt  }
0x54: {  	_ =	shalt  }
0x55: {  	_ =	shalt  }
0x56: {  	_ =	shalt  }
0x57: {  	_ =	shalt  }
0x58: {  	_ =	shalt  }
0x59: {  	_ =	shalt  }
0x5a: {  	_ =	shalt  }
0x5b: {  	_ =	shalt  }
0x5c: {  	_ =	shalt  }
0x5d: {  	_ =	shalt  }
0x5e: {  	_ =	shalt  }
0x5f: {  	_ =	shalt  }
0x60: {  	_ =	shalt  }
0x61: {  	_ =	shalt  }
0x62: {  	_ =	shalt  }
0x63: {  	_ =	shalt  }
0x64: {  	_ =	shalt  }
0x65: {  	_ =	shalt  }
0x66: {  	_ =	shalt  }
0x67: {  	_ =	shalt  }
0x68: {  	_ =	shalt  }
0x69: {  	_ =	shalt  }
0x6a: {  	_ =	shalt  }
0x6b: {  	_ =	shalt  }
0x6c: {  	_ =	shalt  }
0x6d: {  	_ =	shalt  }
0x6e: {  	_ =	shalt  }
0x6f: {  	_ =	shalt  }
0x70: {  	_ =	shalt  }
0x71: {  	_ =	shalt  }
0x72: {  	_ =	shalt  }
0x73: {  	_ =	shalt  }
0x74: {  	_ =	shalt  }
0x75: {  	_ =	shalt  }
0x76: {  	_ =	shalt  }
0x77: {  	_ =	shalt  }
0x78: {  	_ =	shalt  }
0x79: {  	_ =	shalt  }
0x7a: {  	_ =	shalt  }
0x7b: {  	_ =	shalt  }
0x7c: {  	_ =	shalt  }
0x7d: {  	_ =	shalt  }
0x7e: {  	_ =	shalt  }
0x7f: {  	_ =	shalt  }
0x80: {  	_ =	shalt  }
0x81: {  	_ =	shalt  }
0x82: {  	_ =	shalt  }
0x83: {  	_ =	shalt  }
0x84: {  	_ =	shalt  }
0x85: {  	_ =	shalt  }
0x86: {  	_ =	shalt  }
0x87: {  	_ =	shalt  }
.Lfunc_end0:
.L_simem_size_0:
called_computation_lowered:
.L_overlay_start_0:
0x88: {  	s2 =	sld [smem:$0x3FD9]  }
0x89: {  	s3 =	sld [smem:$0x3FFE];
	_ =	sdelay $0x1  }
0x8a: {  	s1 =	srdreg.scid  }
0x8b: {  	s0 =	sand.u32 $0x1, s1  }
0x8c: {  	s16 =	sshll.u32 s0, $0xA;
	s2 =	sadd.s32 s3, s2  }
0x8d: {  	s2 =	sadd.s32 s2, s16  }
0x8e: {  	[smem:$0x3FC2] =	sst s2  }
0x8f: {  	_ = 	snop  }
0x90: {  	(tm) =	ssettm $0x1  }
0x91: {  	s17 =	sld [smem:$0x3FFB];
	_ =	sdelay $0x3  }
0x92: {  	_ =	strace s17  }
0x93: {  	s2 =	sld [smem:$0x3FFC];
	_ =	sdelay $0x3  }
0x94: {  	_ =	strace s2  }
0x95: {  	s2 =	sld [smem:$0x3FFD];
	_ =	sdelay $0x3  }
0x96: {  	_ =	strace s2  }
0x97: {  	_ =	strace $0x8FFFFFFF  }
0x98: {  	s18 =	sld [smem:$0x3FDB];
	_ =	sdelay $0x1  }
0x99: {  	s19 =	simm.s32 $_scs_section_size  }
0x9a: {  	s4 =	simm.s32 $_size__tile_overlayer_lowered;
	s5 =	simm.s32 $_tile_overlayer_lowered  }
0x9b: {  	s22 =	simm.s32 $0x1BFF;
	s21 =	sshll.u32 s5, $0x1;
	s2 =	sadd.s32 s19, s18  }
0x9c: {  	s6 =	simm.s32 $0x0;
	s20 =	sshll.u32 s4, $0x1;
	s4 =	sadd.s32 s21, s2  }
0x9d: {  	[timem:s6], [sflag:s22] =	dma.local [hbm:s4], s20  }
0x9e: {  	_ =	swait.ge [sflag:s22], s20  }
0x9f: {  	s3 =	ssub.s32 $0x0, s20;
	[sflag:s22] =	ssyncset.done $0x0  }
0xa0: {  	[sflag:s22] =	ssyncadd.s32 s3;
	_ =	sdelay $0x1  }
0xa1: {  	s23 =	simm.s32 $0x1B8B  }
0xa2: {  	_ =	swait.ge [sflag:s23], $0x1  }
0xa3: {  	[sflag:s23] =	ssyncset.done $0x0  }
0xa4: {  	s25 =	simm.s32 $0x1B8E;
	s24 =	sld [smem:$0x3FFE];
	[sflag:s23] =	ssyncadd.s32 $0xFFFFFFFF  }
0xa5: {  	s26 =	simm.s32 $execute0_lowered;
	[smem:$0x3FD2] =	sst s25  }
0xa6: {  	s4 =	sshll.u32 s26, $0x1;
	_ =	strace $0x80000046;
	[dreg:$0x1] =	wrdreg $0xFFFFFFFF  }
0xa7: {  	s28 =	simm.s32 $_size_execute0_lowered;
	s2 =	sadd.s32 s2, s4;
	[dreg:$0x0] =	wrdreg $0x0  }
0xa8: {  	s4 =	sshll.u32 s28, $0x1;
	[dreg:$0x2] =	wrdreg s2  }
0xa9: {  	[dreg:$0x3] =	wrdreg s4  }
0xaa: {  	[dreg:$0x4] =	wrdreg $0xC0  }
0xab: {  	_ =	task [dreg:s6], $0x5FFFF  }
0xac: {  	[dreg:$0x1] =	wrdreg $0xFFFFFFFF  }
0xad: {  	[dreg:$0x0] =	wrdreg $0x60  }
0xae: {  	[dreg:$0x2] =	wrdreg s24  }
0xaf: {  	[dreg:$0x3] =	wrdreg $0x28000  }
0xb0: {  	[dreg:$0x4] =	wrdreg $0x0  }
0xb1: {  	[dreg:$0x5] =	wrdreg $0x9  }
0xb2: {  	_ =	task.clear_ibuf [dreg:s6], $0x6FFFF;
	_ =	strace $0x90000046  }
0xb3: {  	s29 =	simm.s32 $0x9;
	_ =	strace $0x80000048  }
0xb4: {  	_ =	swait.ge [sflag:s29], $0x1  }
0xb5: {  	[sflag:s29] =	ssyncadd.s32 $0xFFFFFFFF  }
0xb6: {  	_ =	strace $0x90000048  }
0xb7: {  	_ =	sfence  }
0xb8: {  	s30 =	sld [smem:$0x0];
	_ =	sdelay $0x2  }
0xb9: {  	s31 =	sshll.u32 s1, $0xD;
	s1 =	sshrl.u32 s1, $0x2  }
0xba: {  	s3 =	sand.u32 $0x4000, s31;
	s1 =	sadd.s32 s1, s30  }
0xbb: {  	s0 =	sor.u32 s3, s0;
	s1 =	sshll.u32 s1, $0x11  }
0xbc: {  	s0 =	sor.u32 s1, s0  }
0xbd: {  	s0 =	sadd.s32 $0x8F2B, s0  }
0xbe: {  	[sflag:s0] =	ssyncadd.remote.s32 $0x1  }
0xbf: {  	_ =	sfence.sel $0xFFFF  }
0xc0: {  	[dreg:$0x0] =	wrdreg $0xFFFFFFFF;
	(pc) =	sbr.abs _section_cstart, $3  }
0xc1: {  	[dreg:$0x1] =	wrdreg $0xFFFFFFFF  }
0xc2: {  	_ =	task.clear_ibuf [dreg:s6], $0x2FFFF;
	_ =	strace $0x9FFFFFFF  }
0xc3: {  	(tm) =	ssettm $0x7FFFFFFF  }
tec
execute0_lowered:
.L_overlay_start_1:
0x0: {  	(tag) =	ssettag $0x1  }
0x1: {  	s0 =	srdreg.scid;
	s1 =	rddreg [dreg:$0x0]  }
0x2: {  	s2 =	rddreg [dreg:$0x1];
	s16 =	stileid.u32  }
0x3: {  	s3 =	rddreg [dreg:$0x2];
	s4 =	sand.u32 $0x1, s0;
	s8 =	smul.u32 $0x140, s16  }
0x4: {  	s19 =	simm.s32 $0x0;
	s5 =	sshll.u32 s4, $0x4;
	s14 =	smul.u32 $0x1400, s4  }
0x5: {  	s9 =	sxor.u32 $0x1, s4;
	s10 =	ssub.s32 $0x2, s4;
	s4 =	smul.u32 $0x2800, s4  }
0x6: {  	s28 =	simm.s32 $0x3;
	s29 =	simm.s32 $0x2;
	s11 =	smul.u32 $0x1400, s9  }
0x7: {  	s30 =	simm.s32 $0x4;
	[smem:$0x7FF] =	sst s19;
	s15 =	smul.u32 $0x2800, s9  }
0x8: {  	s13 =	sadd.s32 $0x19E00, s1;
	s5 =	sor.u32 s16, s5;
	s16 =	smul.u32 $0x280, s16  }
0x9: {  	s20 =	sand.u32 $0x2, s0;
	s12 =	sshrl.u32 s10, $0x1;
	s6 =	smul.u32 $0x500, s5  }
0xa: {  	_ =	strace $0x80000047;
	s5 =	smul.u32 $0x1400, s5;
	s10 =	ssub.s32 s10, s12  }
0xb: {  	s18 =	sadd.s32 s8, s14;
	s21 =	sadd.s32 s13, s4;
	s14 =	simm.s32 $0x15C00  }
0xc: {  	s11 =	sadd.s32 s8, s11;
	s24 =	sadd.s32 s13, s15;
	s31 =	smax.u32 s10, $0x1  }
0xd: {  	s21 =	sadd.s32 s16, s21;
	s10 =	simm.s32 $0x100000;
	s6 =	sadd.s32 s6, s1  }
0xe: {  	s7 =	sshrl.u32 s5, $0x3;
	s11 =	sshll.u32 s11, $0x4;
	s12 =	sadd.s32 s5, s2  }
0xf: {  	s5 =	sadd.s32 s5, s3;
	[dreg:$0xc] =	wrdreg s31;
	s7 =	sadd.s32 s7, s1  }
0x10: {  	s1 =	sadd.s32 $0x1EE00, s1;
	s17 =	sadd.s32 $0x5E00, s6;
	[dreg:$0x9] =	wrdreg s5  }
0x11: {  	s6 =	sadd.s32 $0xFE00, s6;
	s8 =	sadd.s32 s11, s2;
	[dreg:$0x4] =	wrdreg s17  }
0x12: {  	s25 =	sadd.s32 s11, s3;
	s11 =	simm.s32 $0x5;
	[dreg:$0x5] =	wrdreg s6  }
0x13: {  	s6 =	sshll.u32 s18, $0x4;
	s23 =	sadd.s32 $0xE00, s7;
	s4 =	sadd.s32 s1, s4  }
0x14: {  	[dreg:$0xa] =	wrdreg s25;
	s1 =	sadd.s32 s1, s15;
	s26 =	sadd.s32 $0x23E00, s7  }
0x15: {  	s18 =	simm.s32 $0x6;
	s25 =	simm.s32 $0x400;
	[dreg:$0x8] =	wrdreg s23  }
0x16: {  	s17 =	simm.s32 $0xE000;
	s6 =	sadd.s32 s6, s2;
	[dreg:$0xb] =	wrdreg s26  }
0x17: {  	s23 =	sadd.s32 s16, s4;
	[dreg:$0x6] =	wrdreg s6;
	s6 =	sor.u32 s9, s20  }
0x18: {  	s26 =	simm.s32 $0xA000;
	s4 =	simm.s32 $0x1;
	s22 =	sor.u32 $0x4, s6  }
0x19: {  	s9 =	sshrl.u32 s0, $0x2;
	s20 =	simm.s32 $0x14800;
	[dreg:$0x7] =	wrdreg s22  }
0x1a: {  	v0 =	vimm.f32 $0.0e+00;
	v1 =	vimm.f32 $1.000000000e+00;
	s22 =	sadd.s32 s16, s24;
	s24 =	sadd.s32 s16, s1;
	s1 =	simm.s32 $0x0  }
.LBB2_1:
0x1b: {  	[dreg:$0xd] =	wrdreg s1  }
0x1c: {  	s0 =	rddreg [dreg:$0x4];
	s15 =	simm.s32 $0x5000  }
0x1d: {  	[tilespmem:s15], [sflag:$0x6] =	stream.linear.gather [hbm4b:s0+s19], $0x2800, $0x38;
	[tilespmem:$0x1AC00] =	vst v63  }
0x1e: {  	_ =	swait.ge [sflag:s18], $0x2800  }
0x1f: {  	[sflag:s18] =	ssyncset.done $0x0  }
0x20: {  	s31 =	simm.s32 $0x7800;
	s16 =	rddreg [dreg:$0x5];
	[sflag:s18] =	ssyncadd.s32 $0xFFFFD800  }
0x21: {  	[tilespmem:s31], [sflag:$0x6] =	stream.linear.gather [hbm4b:s16+s19], $0x2800, $0x38;
	[tilespmem:$0x1AC00] =	vst v63  }
0x22: {  	_ =	swait.ge [sflag:s18], $0x2800  }
0x23: {  	[sflag:s18] =	ssyncset.done $0x0  }
0x24: {  	s1 =	simm.s32 $0x0;
	s0 =	simm.s32 $0x40;
	[sflag:s18] =	ssyncadd.s32 $0xFFFFD800  }
.LBB2_2:
0x25: {  	p0 =	sne.s32 s0, $0x4FC0;
	[tilespmem:s1+$0x14800] =	vst v0;
	s1 =	smov.u32 s0;
	s0 =	sadd.s32 $0x40, s0  }
.Ltmp0:
0x26: {  	(pc) =	sbr.rel @p0 .LBB2_2-.Ltmp0, $2  }
0x27: {  	_ =	sdelay $0x2  }
0x28: {  	s1 =	sshra.s32 s1, $0x2  }
0x29: {  	[tilespmem:s1+$0x14800] =	vst v0;
	s0 =	rddreg [dreg:$0x6]  }
0x2a: {  	[spmem:s0] =	stream.linear.scatter [tilespmem:s20], [sflag:$0x6], $0x1400, $0x38;
	[tilespmem:$0x1AC00] =	vst v63  }
0x2b: {  	_ =	swait.ge [sflag:s18], $0x1400  }
0x2c: {  	[sflag:s18] =	ssyncset.done $0x0  }
0x2d: {  	[sflag:s18] =	ssyncadd.s32 $0xFFFFEC00  }
0x2e: {  	[spmem:s8] =	stream.linear.scatter [tilespmem:s20], [sflag:$0x6], $0x1400, $0x38;
	[tilespmem:$0x1AC00] =	vst v63  }
0x2f: {  	_ =	swait.ge [sflag:s18], $0x1400  }
0x30: {  	[sflag:s18] =	ssyncset.done $0x0  }
0x31: {  	[sflag:s18] =	ssyncadd.s32 $0xFFFFEC00  }
0x32: {  	s1 =	simm.s32 $0x0;
	s0 =	simm.s32 $0x40;
	[bflag:$0x0] =	sbarrier.arrive $0xFFFF  }
.LBB2_4:
0x33: {  	p0 =	sne.s32 s0, $0xFFC0;
	[tilespmem:s1+$0xA000] =	vst v1;
	s1 =	smov.u32 s0;
	s0 =	sadd.s32 $0x40, s0  }
.Ltmp1:
0x34: {  	(pc) =	sbr.rel @p0 .LBB2_4-.Ltmp1, $2  }
0x35: {  	_ =	sdelay $0x2  }
0x36: {  	s1 =	sshra.s32 s1, $0x2  }
0x37: {  	[tilespmem:s1+$0xA000] =	vst v1;
	s0 =	simm.s32 $0x7800  }
0x38: {  	[spmem:s2] =	stream.indirect.scatter.add.f32 [tilespmem:s26], [sflag:$0x6], $0x10, s0, s25, $0xb8;
	[tilespmem:$0x1AC00] =	vst v63  }
0x39: {  	_ =	swait.ge [sflag:s18], $0x4000  }
0x3a: {  	[sflag:s18] =	ssyncset.done $0x0  }
0x3b: {  	s15 =	simm.s32 $0x7C00;
	[sflag:s18] =	ssyncadd.s32 $0xFFFFC000  }
0x3c: {  	[spmem:s2] =	stream.indirect.scatter.add.f32 [tilespmem:s26], [sflag:$0x6], $0x10, s15, s25, $0xb8;
	[tilespmem:$0x1AC00] =	vst v63  }
0x3d: {  	_ =	swait.ge [sflag:s18], $0x4000  }
0x3e: {  	[sflag:s18] =	ssyncset.done $0x0  }
0x3f: {  	s16 =	simm.s32 $0x8000;
	[sflag:s18] =	ssyncadd.s32 $0xFFFFC000  }
0x40: {  	[spmem:s2] =	stream.indirect.scatter.add.f32 [tilespmem:s26], [sflag:$0x6], $0x10, s16, s25, $0xb8;
	[tilespmem:$0x1AC00] =	vst v63  }
0x41: {  	_ =	swait.ge [sflag:s18], $0x4000  }
0x42: {  	[sflag:s18] =	ssyncset.done $0x0  }
0x43: {  	s19 =	simm.s32 $0x8400;
	[sflag:s18] =	ssyncadd.s32 $0xFFFFC000  }
0x44: {  	[spmem:s2] =	stream.indirect.scatter.add.f32 [tilespmem:s26], [sflag:$0x6], $0x10, s19, s25, $0xb8;
	[tilespmem:$0x1AC00] =	vst v63  }
0x45: {  	_ =	swait.ge [sflag:s18], $0x4000  }
0x46: {  	[sflag:s18] =	ssyncset.done $0x0  }
0x47: {  	s1 =	simm.s32 $0x8800;
	[sflag:s18] =	ssyncadd.s32 $0xFFFFC000  }
0x48: {  	[spmem:s2] =	stream.indirect.scatter.add.f32 [tilespmem:s26], [sflag:$0x6], $0x10, s1, s25, $0xb8;
	[tilespmem:$0x1AC00] =	vst v63  }
0x49: {  	_ =	swait.ge [sflag:s18], $0x4000  }
0x4a: {  	[sflag:s18] =	ssyncset.done $0x0  }
0x4b: {  	s5 =	simm.s32 $0x8C00;
	[sflag:s18] =	ssyncadd.s32 $0xFFFFC000  }
0x4c: {  	[spmem:s2] =	stream.indirect.scatter.add.f32 [tilespmem:s26], [sflag:$0x6], $0x10, s5, s25, $0xb8;
	[tilespmem:$0x1AC00] =	vst v63  }
0x4d: {  	_ =	swait.ge [sflag:s18], $0x4000  }
0x4e: {  	[sflag:s18] =	ssyncset.done $0x0  }
0x4f: {  	s6 =	simm.s32 $0x9000;
	[sflag:s18] =	ssyncadd.s32 $0xFFFFC000  }
0x50: {  	[spmem:s2] =	stream.indirect.scatter.add.f32 [tilespmem:s26], [sflag:$0x6], $0x10, s6, s25, $0xb8;
	[tilespmem:$0x1AC00] =	vst v63  }
0x51: {  	_ =	swait.ge [sflag:s18], $0x4000  }
0x52: {  	[sflag:s18] =	ssyncset.done $0x0  }
0x53: {  	s7 =	simm.s32 $0x9400;
	[sflag:s18] =	ssyncadd.s32 $0xFFFFC000  }
0x54: {  	[spmem:s2] =	stream.indirect.scatter.add.f32 [tilespmem:s26], [sflag:$0x6], $0x10, s7, s25, $0xb8;
	[tilespmem:$0x1AC00] =	vst v63  }
0x55: {  	_ =	swait.ge [sflag:s18], $0x4000  }
0x56: {  	[sflag:s18] =	ssyncset.done $0x0  }
0x57: {  	s13 =	simm.s32 $0x9800;
	[sflag:s18] =	ssyncadd.s32 $0xFFFFC000  }
0x58: {  	[spmem:s2] =	stream.indirect.scatter.add.f32 [tilespmem:s26], [sflag:$0x6], $0x10, s13, s25, $0xb8;
	[tilespmem:$0x1AC00] =	vst v63  }
0x59: {  	_ =	swait.ge [sflag:s18], $0x4000  }
0x5a: {  	[sflag:s18] =	ssyncset.done $0x0  }
0x5b: {  	s15 =	simm.s32 $0x9C00;
	[sflag:s18] =	ssyncadd.s32 $0xFFFFC000  }
0x5c: {  	[spmem:s2] =	stream.indirect.scatter.add.f32 [tilespmem:s26], [sflag:$0x6], $0x10, s15, s25, $0xb8;
	[tilespmem:$0x1AC00] =	vst v63  }
0x5d: {  	_ =	swait.ge [sflag:s18], $0x4000  }
0x5e: {  	s16 =	stileid.u32;
	[sflag:s18] =	ssyncset.done $0x0  }
0x5f: {  	s19 =	sshll.u32 s16, $0x6;
	[sflag:s18] =	ssyncadd.s32 $0xFFFFC000  }
0x60: {  	s0 =	sor.u32 $0x1C06, s19;
	s5 =	sshrl.u32 s8, $0x3;
	[bflag:$0x0] =	sbarrier.arrive $0xFFFF  }
0x61: {  	[hbm:s21], [sflag:s0] =	dma.local [spmem:s5], $0x280  }
0x62: {  	_ =	swait.ge [sflag:s18], $0x280  }
0x63: {  	[sflag:s18] =	ssyncset.done $0x0  }
0x64: {  	[sflag:s18] =	ssyncadd.s32 $0xFFFFFD80  }
0x65: {  	[spmem:s8] =	stream.linear.scatter [tilespmem:s20], [sflag:$0x6], $0x1400, $0x38;
	[tilespmem:$0x1AC00] =	vst v63  }
0x66: {  	_ =	swait.ge [sflag:s18], $0x1400  }
0x67: {  	[sflag:s18] =	ssyncset.done $0x0  }
0x68: {  	[sflag:s18] =	ssyncadd.s32 $0xFFFFEC00  }
0x69: {  	[bflag:$0x0] =	sbarrier.arrive $0xFFFF  }
0x6a: {  	s6 =	simm.s32 $0x0;
	[smem:s10], [sflag:$0x0] =	smem.add.s32 $0x0  }
0x6b: {  	_ =	swait.done [sflag:s6]  }
0x6c: {  	s7 =	ssyncread [sflag:$0x0];
	_ =	sdelay $0x1  }
0x6d: {  	s13 =	rddreg [dreg:$0x7]  }
0x6e: {  	s1 =	sor.u32 $0x1C05, s19;
	s13 =	sshll.u32 s13, $0xE;
	s7 =	sadd.s32 s9, s7  }
0x6f: {  	[sflag:s6] =	ssyncset.s32 $0x0;
	s31 =	sor.u32 s13, s1;
	s13 =	sshll.u32 s7, $0x11  }
0x70: {  	[sflag:s6] =	ssyncset.done $0x0;
	s1 =	sor.u32 s13, s31  }
0x71: {  	[sflag:s1] =	ssyncadd.remote.s32 $0x1  }
0x72: {  	_ =	swait.ge [sflag:s11], $0x1  }
0x73: {  	[sflag:s11] =	ssyncset.done $0x0  }
0x74: {  	s15 =	rddreg [dreg:$0x8];
	[sflag:s11] =	ssyncadd.s32 $0xFFFFFFFF  }
0x75: {  	[tilespmem:s14], [sflag:$0x6] =	stream.linear.gather [hbm4b:s15+s6], $0x1400, $0x38;
	[tilespmem:$0x1AC00] =	vst v63  }
0x76: {  	_ =	swait.ge [sflag:s18], $0x1400  }
0x77: {  	[sflag:s18] =	ssyncset.done $0x0  }
0x78: {  	s16 =	simm.s32 $0x12000;
	[sflag:s18] =	ssyncadd.s32 $0xFFFFEC00  }
0x79: {  	[tilespmem:s16], [sflag:$0x6] =	stream.linear.gather [spmem:s12], $0x1400, $0x38;
	[tilespmem:$0x1AC00] =	vst v63  }
0x7a: {  	_ =	swait.ge [sflag:s18], $0x1400  }
0x7b: {  	[sflag:s18] =	ssyncset.done $0x0  }
0x7c: {  	[sflag:s18] =	ssyncadd.s32 $0xFFFFEC00  }
0x7d: {  	[spmem:s12] =	stream.linear.scatter [tilespmem:s20], [sflag:$0x6], $0x1400, $0x38;
	[tilespmem:$0x1AC00] =	vst v63  }
0x7e: {  	_ =	swait.ge [sflag:s18], $0x1400  }
0x7f: {  	[sflag:s18] =	ssyncset.done $0x0  }
0x80: {  	s19 =	simm.s32 $0x13400;
	[sflag:s18] =	ssyncadd.s32 $0xFFFFEC00  }
0x81: {  	[tilespmem:s19], [sflag:$0x6] =	stream.linear.gather [hbm4b:s22+s6], $0x1400, $0x38;
	[tilespmem:$0x1AC00] =	vst v63  }
0x82: {  	_ =	swait.ge [sflag:s18], $0x1400  }
0x83: {  	[sflag:s18] =	ssyncset.done $0x0  }
0x84: {  	s16 =	simm.s32 $0x0;
	[sflag:s18] =	ssyncadd.s32 $0xFFFFEC00  }
0x85: {  	v2 =	vld [tilespmem:s16+$0x12000]  }
0x86: {  	v3 =	vld [tilespmem:s16+$0x13400];
	_ =	sdelay $0x4  }
0x87: {  	v2 =	vadd.f32 v3, v2  }
0x88: {  	s15 =	simm.s32 $0x10  }
0x89: {  	v4 =	vld [tilespmem:s15+$0x13400];
	v2 =	vadd.f32 $1.000000000e+00, v2  }
0x8a: {  	v3 =	vld [tilespmem:s15+$0x12000]  }
0x8b: {  	v5 =	vshra.s32 v2, $0x1;
	v2 =	vmul.f32 $5.000000000e-01, v2  }
0x8c: {  	v5 =	vsub.s32 $0x5F3759DF, v5  }
0x8d: {  	v6 =	vmul.f32 v5, v2;
	_ =	sdelay $0x1  }
0x8e: {  	s6 =	simm.s32 $0x20;
	v3 =	vadd.f32 v4, v3;
	v4 =	vmul.f32 v5, v6  }
0x8f: {  	v7 =	vld [tilespmem:s6+$0x13400]  }
0x90: {  	v3 =	vadd.f32 $1.000000000e+00, v3;
	v6 =	vld [tilespmem:s6+$0x12000];
	v4 =	vsub.f32 $1.500000000e+00, v4;
	_ =	sdelay $0x1  }
0x91: {  	v8 =	vshra.s32 v3, $0x1;
	v9 =	vmul.f32 $5.000000000e-01, v3;
	v4 =	vmul.f32 v5, v4  }
0x92: {  	v5 =	vsub.s32 $0x5F3759DF, v8  }
0x93: {  	v3 =	vmul.f32 v5, v9;
	v8 =	vmul.f32 v4, v2  }
0x94: {  	v6 =	vadd.f32 v7, v6  }
0x95: {  	s1 =	simm.s32 $0x30;
	v3 =	vmul.f32 v5, v3;
	v7 =	vmul.f32 v8, v4  }
0x96: {  	v11 =	vld [tilespmem:s1+$0x13400];
	v6 =	vadd.f32 $1.000000000e+00, v6  }
0x97: {  	v8 =	vld [tilespmem:s1+$0x12000];
	v10 =	vsub.f32 $1.500000000e+00, v3;
	v7 =	vsub.f32 $1.500000000e+00, v7  }
0x98: {  	v12 =	vshra.s32 v6, $0x1;
	v3 =	vmul.f32 $5.000000000e-01, v6  }
0x99: {  	v10 =	vmul.f32 v5, v10;
	v5 =	vsub.s32 $0x5F3759DF, v12;
	v7 =	vmul.f32 v7, v4  }
0x9a: {  	v4 =	vmul.f32 v5, v3  }
0x9b: {  	v6 =	vmul.f32 v10, v9;
	v2 =	vmul.f32 v7, v2  }
0x9c: {  	s7 =	simm.s32 $0x40;
	v8 =	vadd.f32 v11, v8;
	v4 =	vmul.f32 v5, v4  }
0x9d: {  	v15 =	vld [tilespmem:s7+$0x13400];
	v6 =	vmul.f32 v6, v10;
	v2 =	vmul.f32 v2, v7  }
0x9e: {  	v11 =	vld [tilespmem:s16+$0x15C00];
	v8 =	vadd.f32 $1.000000000e+00, v8;
	v4 =	vsub.f32 $1.500000000e+00, v4  }
0x9f: {  	v12 =	vld [tilespmem:s7+$0x12000];
	v13 =	vsub.f32 $1.500000000e+00, v6;
	v14 =	vsub.f32 $1.500000000e+00, v2  }
0xa0: {  	v16 =	vshra.s32 v8, $0x1;
	v2 =	vmul.f32 $5.000000000e-01, v8;
	v6 =	vmul.f32 v5, v4  }
0xa1: {  	v5 =	vsub.s32 $0x5F3759DF, v16;
	v4 =	vmul.f32 v13, v10;
	v8 =	vmul.f32 v14, v7  }
0xa2: {  	v7 =	vmul.f32 v5, v2;
	v13 =	vmul.f32 v6, v3  }
0xa3: {  	v63 =	vmul.f32 v4, v9;
	v9 =	vmul.f32 v8, v11  }
0xa4: {  	s19 =	simm.s32 $0x50;
	v14 =	vadd.f32 v15, v12;
	[tilespmem:s16+$0x19800] =	vst v8;
	v11 =	vmul.f32 v5, v7;
	v10 =	vmul.f32 $8.999999760e-01, v8  }
0xa5: {  	s13 =	simm.s32 $0x180;
	v12 =	vmul.f32 v13, v6;
	v7 =	vld [tilespmem:s19+$0x12000];
	v13 =	vmul.f32 v63, v4;
	[tilespmem:s16+$0x15C00] =	vst v9  }
.LBB2_6:
0xa6: {  	p0 =	sne.s32 s13, $0x4FC0;
	v14 =	vadd.f32 $1.000000000e+00, v14;
	v11 =	vsub.f32 $1.500000000e+00, v11;
	v15 =	vld [tilespmem:s15+$0x15C00];
	v9 =	vmul.f32 $1.000000010e-01, v9  }
0xa7: {  	v10 =	vmul.f32 v10, v8;
	v16 =	vld [tilespmem:s19+$0x13400];
	v12 =	vsub.f32 $1.500000000e+00, v12;
	v13 =	vsub.f32 $1.500000000e+00, v13  }
0xa8: {  	v8 =	vshra.s32 v14, $0x1;
	v14 =	vmul.f32 $5.000000000e-01, v14;
	v11 =	vmul.f32 v5, v11;
	[tilespmem:s16+$0x18400] =	vst v9  }
.Ltmp2:
0xa9: {  	v5 =	vsub.s32 $0x5F3759DF, v8;
	v8 =	vmul.f32 v13, v4;
	v4 =	vmul.f32 v12, v6;
	[tilespmem:s16+$0x17000] =	vst v10;
	s16 =	smov.u32 s15;
	s15 =	smov.u32 s6;
	(pc) =	sbr.rel @p0 .LBB2_6-.Ltmp2, $4  }
0xaa: {  	s6 =	smov.u32 s1;
	s1 =	smov.u32 s7;
	s7 =	smov.u32 s19;
	v10 =	vmul.f32 v5, v14;
	v12 =	vmul.f32 v11, v2;
	v6 =	vmov v11  }
0xab: {  	v13 =	vmul.f32 v4, v3;
	v9 =	vmul.f32 v8, v15;
	[tilespmem:s16+$0x19800] =	vst v8;
	v3 =	vmovc v2;
	v2 =	vmov v14  }
0xac: {  	s19 =	sshra.s32 s13, $0x2;
	v14 =	vadd.f32 v16, v7;
	v11 =	vmul.f32 v5, v10;
	v10 =	vmul.f32 $8.999999760e-01, v8  }
0xad: {  	s13 =	sadd.s32 $0x40, s13;
	v12 =	vmul.f32 v12, v6;
	v7 =	vld [tilespmem:s19+$0x12000];
	v13 =	vmul.f32 v13, v4;
	[tilespmem:s16+$0x15C00] =	vst v9  }
0xae: {  	v14 =	vadd.f32 $1.000000000e+00, v14;
	v11 =	vsub.f32 $1.500000000e+00, v11;
	v15 =	vld [tilespmem:s15+$0x15C00];
	v9 =	vmul.f32 $1.000000010e-01, v9  }
0xaf: {  	v16 =	vld [tilespmem:s19+$0x13400];
	v8 =	vmul.f32 v10, v8;
	v12 =	vsub.f32 $1.500000000e+00, v12;
	v13 =	vsub.f32 $1.500000000e+00, v13  }
0xb0: {  	v45 =	vshra.s32 v14, $0x1;
	v14 =	vmul.f32 $5.000000000e-01, v14;
	v5 =	vmul.f32 v5, v11  }
0xb1: {  	v10 =	vsub.s32 $0x5F3759DF, v45;
	v6 =	vmul.f32 v12, v6;
	v4 =	vmul.f32 v13, v4  }
0xb2: {  	[tilespmem:s16+$0x18400] =	vst v9;
	v46 =	vmul.f32 v10, v14;
	v11 =	vmul.f32 v5, v2  }
0xb3: {  	[tilespmem:s16+$0x17000] =	vst v8;
	v3 =	vmul.f32 v6, v3;
	v47 =	vmul.f32 v4, v15  }
0xb4: {  	[tilespmem:s15+$0x19800] =	vst v4;
	v7 =	vadd.f32 v16, v7;
	v48 =	vmul.f32 $8.999999760e-01, v4;
	v9 =	vmul.f32 v10, v46  }
0xb5: {  	v11 =	vmul.f32 v11, v5;
	v3 =	vmul.f32 v3, v6;
	[tilespmem:s15+$0x15C00] =	vst v47  }
0xb6: {  	v7 =	vadd.f32 $1.000000000e+00, v7;
	v8 =	vmul.f32 $1.000000010e-01, v47;
	v9 =	vsub.f32 $1.500000000e+00, v9;
	v49 =	vld [tilespmem:s6+$0x15C00]  }
0xb7: {  	v4 =	vmul.f32 v48, v4;
	v11 =	vsub.f32 $1.500000000e+00, v11;
	v3 =	vsub.f32 $1.500000000e+00, v3  }
0xb8: {  	v50 =	vshra.s32 v7, $0x1;
	v7 =	vmul.f32 $5.000000000e-01, v7;
	v9 =	vmul.f32 v10, v9  }
0xb9: {  	v51 =	vsub.s32 $0x5F3759DF, v50;
	v5 =	vmul.f32 v11, v5;
	v3 =	vmul.f32 v3, v6  }
0xba: {  	[tilespmem:s15+$0x18400] =	vst v8;
	v52 =	vmul.f32 v51, v7;
	v53 =	vmul.f32 v9, v14  }
0xbb: {  	[tilespmem:s15+$0x17000] =	vst v4;
	v2 =	vmul.f32 v5, v2;
	v54 =	vmul.f32 v3, v49  }
0xbc: {  	[tilespmem:s6+$0x19800] =	vst v3;
	v6 =	vmul.f32 v51, v52  }
0xbd: {  	v8 =	vmul.f32 v53, v9;
	v2 =	vmul.f32 v2, v5;
	[tilespmem:s6+$0x15C00] =	vst v54  }
0xbe: {  	v55 =	vmul.f32 $8.999999760e-01, v3;
	v6 =	vsub.f32 $1.500000000e+00, v6;
	v56 =	vld [tilespmem:s1+$0x15C00]  }
0xbf: {  	v4 =	vmul.f32 $1.000000010e-01, v54;
	v8 =	vsub.f32 $1.500000000e+00, v8;
	v2 =	vsub.f32 $1.500000000e+00, v2  }
0xc0: {  	v3 =	vmul.f32 v55, v3;
	v6 =	vmul.f32 v51, v6  }
0xc1: {  	v8 =	vmul.f32 v8, v9;
	v2 =	vmul.f32 v2, v5  }
0xc2: {  	[tilespmem:s6+$0x18400] =	vst v4;
	v57 =	vmul.f32 v6, v7  }
0xc3: {  	[tilespmem:s6+$0x17000] =	vst v3;
	v3 =	vmul.f32 v8, v14;
	v5 =	vmul.f32 v2, v56  }
0xc4: {  	[tilespmem:s1+$0x19800] =	vst v2;
	v4 =	vmul.f32 v57, v6  }
0xc5: {  	v3 =	vmul.f32 v3, v8;
	[tilespmem:s1+$0x15C00] =	vst v5  }
0xc6: {  	v58 =	vmul.f32 $8.999999760e-01, v2;
	v4 =	vsub.f32 $1.500000000e+00, v4;
	v59 =	vld [tilespmem:s7+$0x15C00]  }
0xc7: {  	v3 =	vsub.f32 $1.500000000e+00, v3  }
0xc8: {  	v2 =	vmul.f32 v58, v2;
	v4 =	vmul.f32 v4, v6  }
0xc9: {  	v5 =	vmul.f32 $1.000000010e-01, v5;
	v3 =	vmul.f32 v3, v8  }
0xca: {  	[tilespmem:s1+$0x17000] =	vst v2;
	v2 =	vmul.f32 v4, v7  }
0xcb: {  	[tilespmem:s1+$0x18400] =	vst v5;
	v60 =	vmul.f32 v3, v59  }
0xcc: {  	[tilespmem:s7+$0x19800] =	vst v3;
	v2 =	vmul.f32 v2, v4  }
0xcd: {  	[tilespmem:s7+$0x15C00] =	vst v60  }
0xce: {  	v62 =	vmul.f32 $8.999999760e-01, v3;
	v2 =	vsub.f32 $1.500000000e+00, v2;
	v61 =	vld [tilespmem:s19+$0x15C00];
	_ =	sdelay $0x1  }
0xcf: {  	v3 =	vmul.f32 v62, v3;
	v2 =	vmul.f32 v2, v4  }
0xd0: {  	v5 =	vmul.f32 $1.000000010e-01, v60  }
0xd1: {  	[tilespmem:s7+$0x17000] =	vst v3;
	v3 =	vmul.f32 $8.999999760e-01, v2  }
0xd2: {  	[tilespmem:s7+$0x18400] =	vst v5;
	v4 =	vmul.f32 v2, v61  }
0xd3: {  	[tilespmem:s19+$0x19800] =	vst v2;
	v2 =	vmul.f32 v3, v2  }
0xd4: {  	v63 =	vmul.f32 $1.000000010e-01, v4;
	[tilespmem:s19+$0x15C00] =	vst v4  }
0xd5: {  	[tilespmem:s19+$0x17000] =	vst v2  }
0xd6: {  	s15 =	rddreg [dreg:$0x9];
	[tilespmem:s19+$0x18400] =	vst v63  }
0xd7: {  	[spmem:s15] =	stream.linear.scatter [tilespmem:s14], [sflag:$0x6], $0x1400, $0x38;
	[tilespmem:$0x1AC00] =	vst v63  }
0xd8: {  	_ =	swait.ge [sflag:s18], $0x1400  }
0xd9: {  	[sflag:s18] =	ssyncset.done $0x0  }
0xda: {  	s6 =	simm.s32 $0x0;
	[sflag:s18] =	ssyncadd.s32 $0xFFFFEC00  }
0xdb: {  	[hbm4b:s23+s6] =	stream.linear.scatter [tilespmem:s14], [sflag:$0x6], $0x1400, $0x38;
	[tilespmem:$0x1AC00] =	vst v63  }
0xdc: {  	_ =	swait.ge [sflag:s18], $0x1400  }
0xdd: {  	[sflag:s18] =	ssyncset.done $0x0  }
0xde: {  	[sflag:s18] =	ssyncadd.s32 $0xFFFFEC00  }
0xdf: {  	[bflag:$0x0] =	sbarrier.arrive $0xFFFF  }
0xe0: {  	[smem:s10], [sflag:$0x0] =	smem.add.s32 $0x0  }
0xe1: {  	_ =	swait.done [sflag:s6]  }
0xe2: {  	s16 =	ssyncread [sflag:$0x0];
	_ =	sdelay $0x2  }
0xe3: {  	s1 =	sadd.s32 s9, s16  }
0xe4: {  	[sflag:s6] =	ssyncset.s32 $0x0;
	s1 =	sshll.u32 s1, $0x11  }
0xe5: {  	[sflag:s6] =	ssyncset.done $0x0;
	s1 =	sor.u32 s1, s31  }
0xe6: {  	[sflag:s1] =	ssyncadd.remote.s32 $0x1  }
0xe7: {  	_ =	swait.ge [sflag:s11], $0x1  }
0xe8: {  	[sflag:s11] =	ssyncset.done $0x0;
	s19 =	rddreg [dreg:$0xa]  }
0xe9: {  	[sflag:s11] =	ssyncadd.s32 $0xFFFFFFFF;
	s1 =	sshrl.u32 s19, $0x3  }
0xea: {  	[spmem:s1], [sflag:s0] =	dma.local [hbm:s24], $0x280  }
0xeb: {  	_ =	swait.ge [sflag:s18], $0x280  }
0xec: {  	[sflag:s18] =	ssyncset.done $0x0  }
0xed: {  	[sflag:s18] =	ssyncadd.s32 $0xFFFFFD80  }
0xee: {  	s7 =	simm.s32 $0x0;
	s19 =	simm.s32 $0x0;
	[bflag:$0x0] =	sbarrier.arrive $0xFFFF  }
.LBB2_8:
0xef: {  	s13 =	simm.s32 $0x5000  }
0xf0: {  	[tilespmem:s26], [sflag:$0x1] =	stream.indirect.gather [spmem:s3], $0x10, s13, s25, $0xb8;
	[tilespmem:$0x1AC00] =	vst v63  }
0xf1: {  	_ =	swait.ge [sflag:s4], $0x4000  }
0xf2: {  	[sflag:s4] =	ssyncset.done $0x0  }
0xf3: {  	s15 =	simm.s32 $0x5400;
	[sflag:s4] =	ssyncadd.s32 $0xFFFFC000  }
0xf4: {  	[tilespmem:s17], [sflag:$0x2] =	stream.indirect.gather [spmem:s3], $0x10, s15, s25, $0xb8;
	[tilespmem:$0x1AC00] =	vst v63  }
0xf5: {  	s16 =	simm.s32 $0x7800  }
0xf6: {  	[spmem:s2] =	stream.indirect.scatter.add.f32 [tilespmem:s26], [sflag:$0x3], $0x10, s16, s25, $0xb8;
	[tilespmem:$0x1AC00] =	vst v63  }
0xf7: {  	_ =	swait.ge [sflag:s28], $0x4000  }
0xf8: {  	[sflag:s28] =	ssyncset.done $0x0  }
0xf9: {  	s15 =	simm.s32 $0x5800;
	[sflag:s28] =	ssyncadd.s32 $0xFFFFC000  }
0xfa: {  	[tilespmem:s26], [sflag:$0x1] =	stream.indirect.gather [spmem:s3], $0x10, s15, s25, $0xb8;
	[tilespmem:$0x1AC00] =	vst v63  }
0xfb: {  	_ =	swait.ge [sflag:s29], $0x4000  }
0xfc: {  	[sflag:s29] =	ssyncset.done $0x0  }
0xfd: {  	s16 =	simm.s32 $0x7C00;
	[sflag:s29] =	ssyncadd.s32 $0xFFFFC000  }
0xfe: {  	[spmem:s2] =	stream.indirect.scatter.add.f32 [tilespmem:s17], [sflag:$0x4], $0x10, s16, s25, $0xb8;
	[tilespmem:$0x1AC00] =	vst v63  }
0xff: {  	_ =	swait.ge [sflag:s30], $0x4000  }
0x100: {  	[sflag:s30] =	ssyncset.done $0x0  }
0x101: {  	s15 =	simm.s32 $0x5C00;
	[sflag:s30] =	ssyncadd.s32 $0xFFFFC000  }
0x102: {  	[tilespmem:s17], [sflag:$0x2] =	stream.indirect.gather [spmem:s3], $0x10, s15, s25, $0xb8;
	[tilespmem:$0x1AC00] =	vst v63  }
0x103: {  	_ =	swait.ge [sflag:s4], $0x4000  }
0x104: {  	[sflag:s4] =	ssyncset.done $0x0  }
0x105: {  	s16 =	simm.s32 $0x8000;
	[sflag:s4] =	ssyncadd.s32 $0xFFFFC000  }
0x106: {  	[spmem:s2] =	stream.indirect.scatter.add.f32 [tilespmem:s26], [sflag:$0x3], $0x10, s16, s25, $0xb8;
	[tilespmem:$0x1AC00] =	vst v63  }
0x107: {  	_ =	swait.ge [sflag:s28], $0x4000  }
0x108: {  	[sflag:s28] =	ssyncset.done $0x0  }
0x109: {  	s15 =	simm.s32 $0x6000;
	[sflag:s28] =	ssyncadd.s32 $0xFFFFC000  }
0x10a: {  	[tilespmem:s26], [sflag:$0x1] =	stream.indirect.gather [spmem:s3], $0x10, s15, s25, $0xb8;
	[tilespmem:$0x1AC00] =	vst v63  }
0x10b: {  	_ =	swait.ge [sflag:s29], $0x4000  }
0x10c: {  	[sflag:s29] =	ssyncset.done $0x0  }
0x10d: {  	s16 =	simm.s32 $0x8400;
	[sflag:s29] =	ssyncadd.s32 $0xFFFFC000  }
0x10e: {  	[spmem:s2] =	stream.indirect.scatter.add.f32 [tilespmem:s17], [sflag:$0x4], $0x10, s16, s25, $0xb8;
	[tilespmem:$0x1AC00] =	vst v63  }
0x10f: {  	_ =	swait.ge [sflag:s30], $0x4000  }
0x110: {  	[sflag:s30] =	ssyncset.done $0x0  }
0x111: {  	s15 =	simm.s32 $0x6400;
	[sflag:s30] =	ssyncadd.s32 $0xFFFFC000  }
0x112: {  	[tilespmem:s17], [sflag:$0x2] =	stream.indirect.gather [spmem:s3], $0x10, s15, s25, $0xb8;
	[tilespmem:$0x1AC00] =	vst v63  }
0x113: {  	_ =	swait.ge [sflag:s4], $0x4000  }
0x114: {  	[sflag:s4] =	ssyncset.done $0x0  }
0x115: {  	s16 =	simm.s32 $0x8800;
	[sflag:s4] =	ssyncadd.s32 $0xFFFFC000  }
0x116: {  	[spmem:s2] =	stream.indirect.scatter.add.f32 [tilespmem:s26], [sflag:$0x3], $0x10, s16, s25, $0xb8;
	[tilespmem:$0x1AC00] =	vst v63  }
0x117: {  	_ =	swait.ge [sflag:s28], $0x4000  }
0x118: {  	[sflag:s28] =	ssyncset.done $0x0  }
0x119: {  	s15 =	simm.s32 $0x6800;
	[sflag:s28] =	ssyncadd.s32 $0xFFFFC000  }
0x11a: {  	[tilespmem:s26], [sflag:$0x1] =	stream.indirect.gather [spmem:s3], $0x10, s15, s25, $0xb8;
	[tilespmem:$0x1AC00] =	vst v63  }
0x11b: {  	_ =	swait.ge [sflag:s29], $0x4000  }
0x11c: {  	[sflag:s29] =	ssyncset.done $0x0  }
0x11d: {  	s16 =	simm.s32 $0x8C00;
	[sflag:s29] =	ssyncadd.s32 $0xFFFFC000  }
0x11e: {  	[spmem:s2] =	stream.indirect.scatter.add.f32 [tilespmem:s17], [sflag:$0x4], $0x10, s16, s25, $0xb8;
	[tilespmem:$0x1AC00] =	vst v63  }
0x11f: {  	_ =	swait.ge [sflag:s30], $0x4000  }
0x120: {  	[sflag:s30] =	ssyncset.done $0x0  }
0x121: {  	s15 =	simm.s32 $0x6C00;
	[sflag:s30] =	ssyncadd.s32 $0xFFFFC000  }
0x122: {  	[tilespmem:s17], [sflag:$0x2] =	stream.indirect.gather [spmem:s3], $0x10, s15, s25, $0xb8;
	[tilespmem:$0x1AC00] =	vst v63  }
0x123: {  	_ =	swait.ge [sflag:s4], $0x4000  }
0x124: {  	[sflag:s4] =	ssyncset.done $0x0  }
0x125: {  	s16 =	simm.s32 $0x9000;
	[sflag:s4] =	ssyncadd.s32 $0xFFFFC000  }
0x126: {  	[spmem:s2] =	stream.indirect.scatter.add.f32 [tilespmem:s26], [sflag:$0x3], $0x10, s16, s25, $0xb8;
	[tilespmem:$0x1AC00] =	vst v63  }
0x127: {  	_ =	swait.ge [sflag:s28], $0x4000  }
0x128: {  	[sflag:s28] =	ssyncset.done $0x0  }
0x129: {  	s15 =	simm.s32 $0x7000;
	[sflag:s28] =	ssyncadd.s32 $0xFFFFC000  }
0x12a: {  	[tilespmem:s26], [sflag:$0x1] =	stream.indirect.gather [spmem:s3], $0x10, s15, s25, $0xb8;
	[tilespmem:$0x1AC00] =	vst v63  }
0x12b: {  	_ =	swait.ge [sflag:s29], $0x4000  }
0x12c: {  	[sflag:s29] =	ssyncset.done $0x0  }
0x12d: {  	s16 =	simm.s32 $0x9400;
	[sflag:s29] =	ssyncadd.s32 $0xFFFFC000  }
0x12e: {  	[spmem:s2] =	stream.indirect.scatter.add.f32 [tilespmem:s17], [sflag:$0x4], $0x10, s16, s25, $0xb8;
	[tilespmem:$0x1AC00] =	vst v63  }
0x12f: {  	_ =	swait.ge [sflag:s30], $0x4000  }
0x130: {  	[sflag:s30] =	ssyncset.done $0x0  }
0x131: {  	s15 =	simm.s32 $0x7400;
	[sflag:s30] =	ssyncadd.s32 $0xFFFFC000  }
0x132: {  	[tilespmem:s17], [sflag:$0x2] =	stream.indirect.gather [spmem:s3], $0x10, s15, s25, $0xb8;
	[tilespmem:$0x1AC00] =	vst v63  }
0x133: {  	_ =	swait.ge [sflag:s4], $0x4000  }
0x134: {  	[sflag:s4] =	ssyncset.done $0x0  }
0x135: {  	s16 =	simm.s32 $0x9800;
	[sflag:s4] =	ssyncadd.s32 $0xFFFFC000  }
0x136: {  	[spmem:s2] =	stream.indirect.scatter.add.f32 [tilespmem:s26], [sflag:$0x3], $0x10, s16, s25, $0xb8;
	[tilespmem:$0x1AC00] =	vst v63  }
0x137: {  	_ =	swait.ge [sflag:s29], $0x4000  }
0x138: {  	[sflag:s29] =	ssyncset.done $0x0  }
0x139: {  	[sflag:s29] =	ssyncadd.s32 $0xFFFFC000  }
0x13a: {  	_ =	swait.ge [sflag:s28], $0x4000  }
0x13b: {  	[sflag:s28] =	ssyncset.done $0x0  }
0x13c: {  	s15 =	simm.s32 $0x9C00;
	[sflag:s28] =	ssyncadd.s32 $0xFFFFC000  }
0x13d: {  	[spmem:s2] =	stream.indirect.scatter.add.f32 [tilespmem:s17], [sflag:$0x4], $0x10, s15, s25, $0xb8;
	[tilespmem:$0x1AC00] =	vst v63  }
0x13e: {  	_ =	swait.ge [sflag:s30], $0x4000  }
0x13f: {  	[sflag:s30] =	ssyncset.done $0x0  }
0x140: {  	[sflag:s30] =	ssyncadd.s32 $0xFFFFC000  }
0x141: {  	[bflag:$0x0] =	sbarrier.arrive $0xFFFF  }
0x142: {  	[hbm:s21], [sflag:s0] =	dma.local [spmem:s5], $0x280  }
0x143: {  	_ =	swait.ge [sflag:s18], $0x280  }
0x144: {  	[sflag:s18] =	ssyncset.done $0x0  }
0x145: {  	[sflag:s18] =	ssyncadd.s32 $0xFFFFFD80  }
0x146: {  	[spmem:s8] =	stream.linear.scatter [tilespmem:s20], [sflag:$0x4], $0x1400, $0x38;
	[tilespmem:$0x1AC00] =	vst v63  }
0x147: {  	[smem:s10], [sflag:$0x0] =	smem.add.s32 $0x0  }
0x148: {  	_ =	swait.done [sflag:s6]  }
0x149: {  	s16 =	ssyncread [sflag:$0x0];
	_ =	sdelay $0x2  }
0x14a: {  	s13 =	sadd.s32 s9, s16  }
0x14b: {  	[sflag:s6] =	ssyncset.s32 $0x0;
	s13 =	sshll.u32 s13, $0x11  }
0x14c: {  	[sflag:s6] =	ssyncset.done $0x0;
	s13 =	sor.u32 s13, s31  }
0x14d: {  	[sflag:s13] =	ssyncadd.remote.s32 $0x1  }
0x14e: {  	_ =	swait.ge [sflag:s30], $0x1400  }
0x14f: {  	[sflag:s30] =	ssyncset.done $0x0  }
0x150: {  	[sflag:s30] =	ssyncadd.s32 $0xFFFFEC00  }
0x151: {  	_ =	swait.ge [sflag:s11], $0x1  }
0x152: {  	[sflag:s11] =	ssyncset.done $0x0  }
0x153: {  	s15 =	simm.s32 $0x12000;
	[sflag:s11] =	ssyncadd.s32 $0xFFFFFFFF  }
0x154: {  	[tilespmem:s15], [sflag:$0x1] =	stream.linear.gather [spmem:s12], $0x1400, $0x38;
	[tilespmem:$0x1AC00] =	vst v63  }
0x155: {  	s16 =	simm.s32 $0x13400  }
0x156: {  	[tilespmem:s16], [sflag:$0x2] =	stream.linear.gather [hbm4b:s22+s6], $0x1400, $0x38;
	[tilespmem:$0x1AC00] =	vst v63  }
0x157: {  	_ =	swait.ge [sflag:s4], $0x1400  }
0x158: {  	[sflag:s4] =	ssyncset.done $0x0  }
0x159: {  	[sflag:s4] =	ssyncadd.s32 $0xFFFFEC00  }
0x15a: {  	[spmem:s12] =	stream.linear.scatter [tilespmem:s20], [sflag:$0x3], $0x1400, $0x38;
	[tilespmem:$0x1AC00] =	vst v63  }
0x15b: {  	_ =	swait.ge [sflag:s29], $0x1400  }
0x15c: {  	[sflag:s29] =	ssyncset.done $0x0  }
0x15d: {  	s13 =	simm.s32 $0x0;
	[sflag:s29] =	ssyncadd.s32 $0xFFFFEC00  }
0x15e: {  	v2 =	vld [tilespmem:s13+$0x12000]  }
0x15f: {  	v3 =	vld [tilespmem:s13+$0x13400];
	_ =	sdelay $0x1  }
0x160: {  	v4 =	vld [tilespmem:s13+$0x15C00];
	_ =	sdelay $0x1  }
0x161: {  	v5 =	vld [tilespmem:s13+$0x17000]  }
0x162: {  	v2 =	vadd.f32 v3, v2  }
0x163: {  	v3 =	vld [tilespmem:s13+$0x18400]  }
0x164: {  	v2 =	vadd.f32 v4, v2;
	_ =	sdelay $0x1  }
0x165: {  	v4 =	vmul.f32 v2, v5  }
0x166: {  	s16 =	simm.s32 $0x10  }
0x167: {  	s15 =	simm.s32 $0x80;
	v2 =	vld [tilespmem:s16+$0x12000];
	v3 =	vadd.f32 v4, v3  }
.LBB2_9:
0x168: {  	p0 =	sne.s32 s15, $0x4FC0;
	v4 =	vld [tilespmem:s16+$0x13400]  }
0x169: {  	[tilespmem:s13+$0x15C00] =	vst v3;
	s13 =	smov.u32 s16  }
0x16a: {  	v3 =	vld [tilespmem:s13+$0x15C00];
	_ =	sdelay $0x1  }
0x16b: {  	v5 =	vld [tilespmem:s13+$0x17000]  }
0x16c: {  	v2 =	vadd.f32 v4, v2  }
0x16d: {  	v4 =	vld [tilespmem:s13+$0x18400]  }
.Ltmp3:
0x16e: {  	v2 =	vadd.f32 v3, v2;
	(pc) =	sbr.rel @p0 .LBB2_9-.Ltmp3, $4  }
0x16f: {  	_ = 	snop  }
0x170: {  	v3 =	vmul.f32 v2, v5  }
0x171: {  	s16 =	sshra.s32 s15, $0x2  }
0x172: {  	s15 =	sadd.s32 $0x40, s15;
	v2 =	vld [tilespmem:s16+$0x12000];
	v3 =	vadd.f32 v3, v4  }
0x173: {  	v4 =	vld [tilespmem:s16+$0x13400]  }
0x174: {  	[tilespmem:s13+$0x15C00] =	vst v3  }
0x175: {  	v3 =	vld [tilespmem:s16+$0x15C00];
	_ =	sdelay $0x1  }
0x176: {  	v5 =	vld [tilespmem:s16+$0x17000]  }
0x177: {  	v2 =	vadd.f32 v4, v2  }
0x178: {  	v63 =	vld [tilespmem:s16+$0x18400]  }
0x179: {  	v2 =	vadd.f32 v3, v2;
	_ =	sdelay $0x1  }
0x17a: {  	v2 =	vmul.f32 v2, v5;
	_ =	sdelay $0x1  }
0x17b: {  	v2 =	vadd.f32 v2, v63;
	_ =	sdelay $0x1  }
0x17c: {  	s15 =	rddreg [dreg:$0x9];
	[tilespmem:s16+$0x15C00] =	vst v2  }
0x17d: {  	[spmem:s15] =	stream.linear.scatter [tilespmem:s14], [sflag:$0x4], $0x1400, $0x38;
	[tilespmem:$0x1AC00] =	vst v63  }
0x17e: {  	s16 =	simm.s32 $0x0  }
0x17f: {  	[hbm4b:s23+s16] =	stream.linear.scatter [tilespmem:s14], [sflag:$0x6], $0x1400, $0x38;
	[tilespmem:$0x1AC00] =	vst v63  }
0x180: {  	_ =	swait.ge [sflag:s18], $0x1400  }
0x181: {  	[sflag:s18] =	ssyncset.done $0x0  }
0x182: {  	[sflag:s18] =	ssyncadd.s32 $0xFFFFEC00  }
0x183: {  	_ =	swait.ge [sflag:s28], $0x1400  }
0x184: {  	[sflag:s28] =	ssyncset.done $0x0  }
0x185: {  	[sflag:s28] =	ssyncadd.s32 $0xFFFFEC00  }
0x186: {  	_ =	swait.ge [sflag:s30], $0x1400  }
0x187: {  	[sflag:s30] =	ssyncset.done $0x0  }
0x188: {  	[sflag:s30] =	ssyncadd.s32 $0xFFFFEC00  }
0x189: {  	[bflag:$0x0] =	sbarrier.arrive $0xFFFF  }
0x18a: {  	[smem:s10], [sflag:$0x0] =	smem.add.s32 $0x0  }
0x18b: {  	_ =	swait.done [sflag:s16]  }
0x18c: {  	s15 =	ssyncread [sflag:$0x0];
	_ =	sdelay $0x2  }
0x18d: {  	s15 =	sadd.s32 s9, s15  }
0x18e: {  	[sflag:s16] =	ssyncset.s32 $0x0;
	s15 =	sshll.u32 s15, $0x11  }
0x18f: {  	[sflag:s16] =	ssyncset.done $0x0;
	s16 =	sor.u32 s15, s31  }
0x190: {  	[sflag:s16] =	ssyncadd.remote.s32 $0x1  }
0x191: {  	_ =	swait.ge [sflag:s11], $0x1  }
0x192: {  	s7 =	sadd.s32 $0x1, s7;
	[sflag:s11] =	ssyncset.done $0x0  }
0x193: {  	p0 =	sne.s32 s7, $0xA;
	[sflag:s11] =	ssyncadd.s32 $0xFFFFFFFF  }
0x194: {  	[spmem:s1], [sflag:s0] =	dma.local [hbm:s24], $0x280  }
.Ltmp4:
0x195: {  	_ =	swait.ge [sflag:s18], $0x280;
	(pc) =	sbr.rel @p0 .LBB2_8-.Ltmp4, $3  }
0x196: {  	[sflag:s18] =	ssyncset.done $0x0  }
0x197: {  	[sflag:s18] =	ssyncadd.s32 $0xFFFFFD80  }
0x198: {  	[bflag:$0x0] =	sbarrier.arrive $0xFFFF;
	_ =	sdelay $0x1  }
0x199: {  	s5 =	simm.s32 $0x0  }
0x19a: {  	v2 =	vld [tilespmem:s5+$0x19800];
	_ =	sdelay $0x4  }
0x19b: {  	(erf) = vrcp.f32 v2;
	_ =	sdelay $0x2  }
0x19c: {  	s0 =	simm.s32 $0x10  }
0x19d: {  	v3 =	vld [tilespmem:s0+$0x19800];
	_ =	sdelay $0x3  }
0x19e: {  	v4 =	vld [tilespmem:s5+$0x15C00]  }
0x19f: {  	s1 =	simm.s32 $0x20;
	v5 =	vpop (erf);
	(erf) = vrcp.f32 v3  }
0x1a0: {  	v2 =	vld [tilespmem:s1+$0x19800];
	_ =	sdelay $0x2  }
0x1a1: {  	v4 =	vmul.f32 v5, v4  }
0x1a2: {  	s6 =	simm.s32 $0xC0;
	v3 =	vld [tilespmem:s0+$0x15C00]  }
.LBB2_12:
0x1a3: {  	s7 =	sshra.s32 s6, $0x2;
	p0 =	sne.s32 s6, $0x4FC0;
	s6 =	sadd.s32 $0x40, s6;
	(erf) = vrcp.f32 v2;
	[tilespmem:s5+$0x13400] =	vst v4  }
.Ltmp5:
0x1a4: {  	s5 =	smov.u32 s0;
	s0 =	smov.u32 s1;
	v2 =	vld [tilespmem:s7+$0x19800];
	(pc) =	sbr.rel @p0 .LBB2_12-.Ltmp5, $4  }
0x1a5: {  	s1 =	smov.u32 s7  }
0x1a6: {  	v4 =	vpop (erf)  }
0x1a7: {  	v4 =	vmul.f32 v4, v3  }
0x1a8: {  	v3 =	vld [tilespmem:s0+$0x15C00]  }
0x1a9: {  	(erf) = vrcp.f32 v2;
	_ =	sdelay $0x3  }
0x1aa: {  	[tilespmem:s5+$0x13400] =	vst v4  }
0x1ab: {  	v2 =	vld [tilespmem:s1+$0x15C00];
	_ =	sdelay $0x2  }
0x1ac: {  	v62 =	vpop (erf)  }
0x1ad: {  	v3 =	vmul.f32 v62, v3;
	v63 =	vpop (erf)  }
0x1ae: {  	v2 =	vmul.f32 v63, v2  }
0x1af: {  	[tilespmem:s0+$0x13400] =	vst v3  }
0x1b0: {  	s13 =	rddreg [dreg:$0xb];
	s15 =	simm.s32 $0x13400;
	[tilespmem:s1+$0x13400] =	vst v2  }
0x1b1: {  	[hbm4b:s13+s19] =	stream.linear.scatter [tilespmem:s15], [sflag:$0x6], $0x1400, $0x38;
	[tilespmem:$0x1AC00] =	vst v63  }
0x1b2: {  	_ =	swait.ge [sflag:s18], $0x1400  }
0x1b3: {  	s16 =	rddreg [dreg:$0xd]  }
0x1b4: {  	s31 =	rddreg [dreg:$0xc];
	s1 =	sadd.s32 $0x1, s16  }
0x1b5: {  	p0 =	sne.s32 s1, s31  }
.Ltmp6:
0x1b6: {  	_ = 	snop;
	(pc) =	sbr.rel @p0 .LBB2_1-.Ltmp6, $3  }
0x1b7: {  	_ =	sdelay $0x1  }
0x1b8: {  	[sflag:s18] =	ssyncset.done $0x0  }
0x1b9: {  	[sflag:s18] =	ssyncadd.s32 $0xFFFFEC00  }
0x1ba: {  	_ =	sfence.sel $0x180000  }
0x1bb: {  	[bflag:$0x0] =	sbarrier.arrive $0xFFFF  }
0x1bc: {  	_ =	strace $0x90000047  }
0x1bd: {  	s0 =	stileid.u32;
	[bflag:$0x2] =	sbarrier.arrive $0xFFFF  }
0x1be: {  	p0 =	sne.s32 s0, $0x0;
	s0 =	rddreg [dreg:$0x3]  }
0x1bf: {  	s0 =	sadd.s32 @!p0 $0x100000, s0  }
0x1c0: {  	[sflag:s0] =	ssyncadd.tile.s32 @!p0 $0x1;
	_ =	shalt  }
.Lfunc_end2:
_tile_overlayer_lowered:
.L_overlay_start_2:
0x1c1: {  	(tag) =	ssettag $0x2  }
0x1c2: {  	s0 =	rddreg [dreg:$0x0];
	s2 =	stileid.u32  }
0x1c3: {  	s1 =	rddreg [dreg:$0x1];
	p0 =	sne.s32 s2, $0x0  }
0x1c4: {  	s3 =	rddreg [dreg:$0x2];
	[bflag:$0x3] =	sbarrier.arrive $0xFFFF;
	s2 =	simm.s32 @!p0 $0x1C06  }
0x1c5: {  	[timem:s3], [sflag:s2] =	dma.local @!p0 [hbm:s0], s1  }
0x1c6: {  	s0 =	simm.s32 @!p0 $0x6  }
0x1c7: {  	_ =	swait.ge @!p0 [sflag:s0], s1  }
0x1c8: {  	s1 =	ssub.s32 @!p0 $0x0, s1;
	[sflag:s0] =	ssyncset.done @!p0 $0x0  }
0x1c9: {  	[sflag:s0] =	ssyncadd.s32 @!p0 s1  }
0x1ca: {  	[bflag:$0x3] =	sbarrier.arrive $0xFFFF  }
0x1cb: {  	_ =	shalt  }

</sc_bundles>
